<compile_context>
chip_gen: v7x
topology: tpu7x:2x2x1
jax: 0.10.2.dev20260603
libtpu: 0.0.44.dev20260713+nightly
codegen_flags: <defaults>
</compile_context>

<pallas_src>
import functools

import jax
import jax.numpy as jnp
from jax import lax
from jax.experimental import pallas as pl
from jax.experimental.pallas import tpu as pltpu
from jax.experimental.pallas import tpu_sc as plsc

NUM_DEV = 8
J = 2
RP = 2048
C = 1024
NC = 2
NS = 16
NW = NC * NS
RPW = RP * J // NW
RB0 = 8
RB1 = 64
RB2 = 56

_mesh = plsc.VectorSubcoreMesh(core_axis_name="c", subcore_axis_name="s")


@functools.partial(
    pl.kernel,
    mesh=_mesh,
    out_type=jax.ShapeDtypeStruct((NUM_DEV, J, RP, C), jnp.float32),
    scratch_types=[
        pltpu.VMEM((16,), jnp.float32),
        pltpu.VMEM((RB2, C), jnp.float32),
        pltpu.VMEM((RB1, C), jnp.float32),
        pltpu.SemaphoreType.DMA,
        pltpu.SemaphoreType.DMA,
        pltpu.SemaphoreType.DMA,
        pltpu.SemaphoreType.DMA,
    ],
)
def _sc_select_broadcast(src, msk, out, mbuf, buf0, buf1,
                         gsem0, gsem1, wsem0, wsem1):
    wid = lax.axis_index("s") * NC + lax.axis_index("c")
    j = wid % J
    rbase = (wid // J) * RPW

    pltpu.sync_copy(msk, mbuf.at[pl.ds(0, NUM_DEV)])
    m = mbuf[...]
    best = m[0]
    bi = jnp.int32(0)
    for i in range(1, NUM_DEV):
        v = m[i]
        p = v > best
        bi = lax.select(p, jnp.int32(i), bi)
        best = lax.select(p, v, best)

    r0, r1, r2 = rbase, rbase + RB0, rbase + RB0 + RB1
    bramp = buf0.at[pl.ds(0, RB0)]

    g0 = pltpu.async_copy(src.at[bi, j, pl.ds(r0, RB0)], bramp, gsem0)
    g1 = pltpu.async_copy(src.at[bi, j, pl.ds(r1, RB1)], buf1, gsem1)
    g0.wait()
    w0 = [pltpu.async_copy(bramp, out.at[d, j, pl.ds(r0, RB0)], wsem0)
          for d in range(NUM_DEV)]
    g1.wait()
    w1 = [pltpu.async_copy(buf1, out.at[d, j, pl.ds(r1, RB1)], wsem1)
          for d in range(NUM_DEV)]
    for h in w0:
        h.wait()
    g2 = pltpu.async_copy(src.at[bi, j, pl.ds(r2, RB2)], buf0, gsem0)
    for h in w1:
        h.wait()
    g2.wait()
    w2 = [pltpu.async_copy(buf0, out.at[d, j, pl.ds(r2, RB2)], wsem0)
          for d in range(NUM_DEV)]
    for h in w2:
        h.wait()


def kernel(mesh_tensor, mask):
    return _sc_select_broadcast(mesh_tensor, mask)

# --- scband reference (transcript-rebuilt; emitter-appended) ---
"""Pipeline reference for scband-sync-tensor-24395414241762 (READ-ONLY COPY).

The authoritative reference and input builder live on the scoring server;
editing this copy changes nothing except your own understanding.
"""

import jax, jax.numpy as jnp
import numpy as np

NUM_DEVICES = 8

def setup_inputs(seed: int = 0) -> dict:
    key = jax.random.key(seed)
    k1, k2 = jax.random.split(key)
    mesh_tensor = jax.random.normal(k1, (NUM_DEVICES, 2, 2048, 1024), dtype=jnp.float32)
    mask = jax.random.normal(k2, (NUM_DEVICES,), dtype=jnp.float32)
    return {"mesh_tensor": mesh_tensor, "mask": mask}

def reference(mesh_tensor, mask):
    # idx = torch.argmax(mask, dim=0)
    idx = jnp.argmax(mask, axis=0)
    # tensor = torch.select(mesh_tensor, dim=0, index=idx).unsqueeze(0)
    tensor = jnp.take(mesh_tensor, idx, axis=0)[None]
    # out = torch.concat([tensor] * num_devices, dim=0)
    out = jnp.concatenate([tensor] * NUM_DEVICES, axis=0)
    return out

if __name__ == "__main__":
    import jax
    _d = setup_inputs()
    print(jax.jit(kernel)(*tuple(_d.values())))

</pallas_src>

<mosaic_0001>
#map = affine_map<(d0, d1) -> (0, 0, 0, 0)>
#map1 = affine_map<(d0, d1) -> (0)>
module attributes {stable_mosaic.version = 14 : i64} {
  func.func @_sc_select_broadcast(%arg0: i32, %arg1: i32, %arg2: memref<8x2x2048x1024xf32, #tpu.memory_space<hbm>>, %arg3: memref<8xf32, #tpu.memory_space<hbm>>, %arg4: memref<8x2x2048x1024xf32, #tpu.memory_space<hbm>>, %arg5: memref<16xf32, #tpu.memory_space<vmem>>, %arg6: memref<56x1024xf32, #tpu.memory_space<vmem>>, %arg7: memref<64x1024xf32, #tpu.memory_space<vmem>>, %arg8: memref<!tpu.dma_semaphore, #tpu.memory_space<semaphore_mem>>, %arg9: memref<!tpu.dma_semaphore, #tpu.memory_space<semaphore_mem>>, %arg10: memref<!tpu.dma_semaphore, #tpu.memory_space<semaphore_mem>>, %arg11: memref<!tpu.dma_semaphore, #tpu.memory_space<semaphore_mem>>) attributes {dimension_semantics = [#tpu.dimension_semantics<core_parallel>, #tpu.dimension_semantics<subcore_parallel>], iteration_bounds = array<i64: 2, 16>, scalar_prefetch = 0 : i64, scratch_operands = 7 : i64, tpu.core_type = #tpu.core_type<sc_vector_subcore>, window_params = [{transform_indices = #map}, {transform_indices = #map1}, {transform_indices = #map}]} {
    %mul3A = arith.constant 2 : i32
    %mul3A_0 = arith.muli %arg1, %mul3A : i32
    %add3A = arith.addi %mul3A_0, %arg0 : i32
    %jit3A = arith.constant 2 : i32
    %eq3A = arith.constant 0 : i32
    %eq3A_1 = arith.cmpi eq, %jit3A, %eq3A : i32
    %jit3A_2 = arith.constant 1 : i32
    %select_n3A = arith.select %eq3A_1, %jit3A_2, %jit3A : i32
    %rem3A = arith.remsi %add3A, %select_n3A : i32
    %ne3A = arith.constant 0 : i32
    %ne3A_3 = arith.cmpi ne, %rem3A, %ne3A : i32
    %lt3A = arith.constant 0 : i32
    %lt3A_4 = arith.cmpi slt, %rem3A, %lt3A : i32
    %lt3A_5 = arith.constant 0 : i32
    %lt3A_6 = arith.cmpi slt, %select_n3A, %lt3A_5 : i32
    %ne3A_7 = arith.xori %lt3A_4, %lt3A_6 : i1
    %and3A = arith.andi %ne3A_7, %ne3A_3 : i1
    %add3A_8 = arith.addi %rem3A, %select_n3A : i32
    %select_n3A_9 = arith.select %and3A, %add3A_8, %rem3A : i32
    %jit3A_10 = arith.constant 2 : i32
    %div3A = arith.divsi %add3A, %jit3A_10 : i32
    %sign3A = arith.constant 0 : i32
    %sign3A_11 = arith.cmpi sgt, %add3A, %sign3A : i32
    %sign3A_12 = arith.extui %sign3A_11 : i1 to i32
    %sign3A_13 = arith.constant 0 : i32
    %sign3A_14 = arith.cmpi slt, %add3A, %sign3A_13 : i32
    %sign3A_15 = arith.extui %sign3A_14 : i1 to i32
    %sign3A_16 = arith.subi %sign3A_12, %sign3A_15 : i32
    %sign3A_17 = arith.constant 0 : i32
    %sign3A_18 = arith.cmpi sgt, %jit3A_10, %sign3A_17 : i32
    %sign3A_19 = arith.extui %sign3A_18 : i1 to i32
    %sign3A_20 = arith.constant 0 : i32
    %sign3A_21 = arith.cmpi slt, %jit3A_10, %sign3A_20 : i32
    %sign3A_22 = arith.extui %sign3A_21 : i1 to i32
    %sign3A_23 = arith.subi %sign3A_19, %sign3A_22 : i32
    %ne3A_24 = arith.cmpi ne, %sign3A_16, %sign3A_23 : i32
    %rem3A_25 = arith.remsi %add3A, %jit3A_10 : i32
    %ne3A_26 = arith.constant 0 : i32
    %ne3A_27 = arith.cmpi ne, %rem3A_25, %ne3A_26 : i32
    %and3A_28 = arith.andi %ne3A_24, %ne3A_27 : i1
    %sub3A = arith.constant 1 : i32
    %sub3A_29 = arith.subi %div3A, %sub3A : i32
    %select_n3A_30 = arith.select %and3A_28, %sub3A_29, %div3A : i32
    %mul3A_31 = arith.constant 128 : i32
    %mul3A_32 = arith.muli %select_n3A_30, %mul3A_31 : i32
    "tpu.region"() ({
      %run_scoped3A = tpu.sem_alloc : memref<!tpu.dma_semaphore, #tpu.memory_space<semaphore_mem>>
      %dma_start3A_561 = arith.constant 0 : i32
      %dma_start3A_562 = tpu.memref_slice %arg5[%dma_start3A_561] : memref<16xf32, #tpu.memory_space<vmem>> -> memref<8xf32, #tpu.memory_space<vmem>>
      %dma_start3A_563 = arith.constant 0 : i32
      %dma_start3A_564 = tpu.memref_slice %arg5[%dma_start3A_563] : memref<16xf32, #tpu.memory_space<vmem>> -> memref<8xf32, #tpu.memory_space<vmem>>
      tpu.enqueue_dma source(%arg3 : memref<8xf32, #tpu.memory_space<hbm>>) target(%dma_start3A_564 : memref<8xf32, #tpu.memory_space<vmem>>) target_semaphore(%run_scoped3A : memref<!tpu.dma_semaphore, #tpu.memory_space<semaphore_mem>>)
      %dma_wait3A_565 = arith.constant 0 : i32
      %dma_wait3A_566 = tpu.memref_slice %arg5[%dma_wait3A_565] : memref<16xf32, #tpu.memory_space<vmem>> -> memref<8xf32, #tpu.memory_space<vmem>>
      %dma_wait3A_567 = arith.constant 0 : i32
      %dma_wait3A_568 = tpu.memref_slice %arg5[%dma_wait3A_567] : memref<16xf32, #tpu.memory_space<vmem>> -> memref<8xf32, #tpu.memory_space<vmem>>
      tpu.wait_dma2 semaphore(%run_scoped3A : memref<!tpu.dma_semaphore, #tpu.memory_space<semaphore_mem>>) src(%arg3 : memref<8xf32, #tpu.memory_space<hbm>>) dst(%dma_wait3A_568 : memref<8xf32, #tpu.memory_space<vmem>>)
      tpu.yield
    }) : () -> ()
    %get3A = arith.constant 0 : index
    %get3A_33 = tpu.vector_load %arg5[%get3A] {strides = array<i32>} : memref<16xf32, #tpu.memory_space<vmem>>, vector<16xf32>,
    %get3A_34 = vector.shape_cast %get3A_33 : vector<16xf32> to vector<16xf32>
    %slice3A = vector.extract_strided_slice %get3A_34 {offsets = [0], sizes = [1], strides = [1]} : vector<16xf32> to vector<1xf32>
    %squeeze3A = vector.extract %slice3A[0] : f32 from vector<1xf32>
    %slice3A_35 = vector.extract_strided_slice %get3A_34 {offsets = [1], sizes = [1], strides = [1]} : vector<16xf32> to vector<1xf32>
    %squeeze3A_36 = vector.extract %slice3A_35[0] : f32 from vector<1xf32>
    %gt3A = arith.cmpf ogt, %squeeze3A_36, %squeeze3A : f32
    %select_n3A_37 = arith.constant 0 : i32
    %select_n3A_38 = arith.constant 1 : i32
    %select_n3A_39 = arith.select %gt3A, %select_n3A_38, %select_n3A_37 : i32
    %select_n3A_40 = arith.select %gt3A, %squeeze3A_36, %squeeze3A : f32
    %slice3A_41 = vector.extract_strided_slice %get3A_34 {offsets = [2], sizes = [1], strides = [1]} : vector<16xf32> to vector<1xf32>
    %squeeze3A_42 = vector.extract %slice3A_41[0] : f32 from vector<1xf32>
    %gt3A_43 = arith.cmpf ogt, %squeeze3A_42, %select_n3A_40 : f32
    %select_n3A_44 = arith.constant 2 : i32
    %select_n3A_45 = arith.select %gt3A_43, %select_n3A_44, %select_n3A_39 : i32
    %select_n3A_46 = arith.select %gt3A_43, %squeeze3A_42, %select_n3A_40 : f32
    %slice3A_47 = vector.extract_strided_slice %get3A_34 {offsets = [3], sizes = [1], strides = [1]} : vector<16xf32> to vector<1xf32>
    %squeeze3A_48 = vector.extract %slice3A_47[0] : f32 from vector<1xf32>
    %gt3A_49 = arith.cmpf ogt, %squeeze3A_48, %select_n3A_46 : f32
    %select_n3A_50 = arith.constant 3 : i32
    %select_n3A_51 = arith.select %gt3A_49, %select_n3A_50, %select_n3A_45 : i32
    %select_n3A_52 = arith.select %gt3A_49, %squeeze3A_48, %select_n3A_46 : f32
    %slice3A_53 = vector.extract_strided_slice %get3A_34 {offsets = [4], sizes = [1], strides = [1]} : vector<16xf32> to vector<1xf32>
    %squeeze3A_54 = vector.extract %slice3A_53[0] : f32 from vector<1xf32>
    %gt3A_55 = arith.cmpf ogt, %squeeze3A_54, %select_n3A_52 : f32
    %select_n3A_56 = arith.constant 4 : i32
    %select_n3A_57 = arith.select %gt3A_55, %select_n3A_56, %select_n3A_51 : i32
    %select_n3A_58 = arith.select %gt3A_55, %squeeze3A_54, %select_n3A_52 : f32
    %slice3A_59 = vector.extract_strided_slice %get3A_34 {offsets = [5], sizes = [1], strides = [1]} : vector<16xf32> to vector<1xf32>
    %squeeze3A_60 = vector.extract %slice3A_59[0] : f32 from vector<1xf32>
    %gt3A_61 = arith.cmpf ogt, %squeeze3A_60, %select_n3A_58 : f32
    %select_n3A_62 = arith.constant 5 : i32
    %select_n3A_63 = arith.select %gt3A_61, %select_n3A_62, %select_n3A_57 : i32
    %select_n3A_64 = arith.select %gt3A_61, %squeeze3A_60, %select_n3A_58 : f32
    %slice3A_65 = vector.extract_strided_slice %get3A_34 {offsets = [6], sizes = [1], strides = [1]} : vector<16xf32> to vector<1xf32>
    %squeeze3A_66 = vector.extract %slice3A_65[0] : f32 from vector<1xf32>
    %gt3A_67 = arith.cmpf ogt, %squeeze3A_66, %select_n3A_64 : f32
    %select_n3A_68 = arith.constant 6 : i32
    %select_n3A_69 = arith.select %gt3A_67, %select_n3A_68, %select_n3A_63 : i32
    %select_n3A_70 = arith.select %gt3A_67, %squeeze3A_66, %select_n3A_64 : f32
    %slice3A_71 = vector.extract_strided_slice %get3A_34 {offsets = [7], sizes = [1], strides = [1]} : vector<16xf32> to vector<1xf32>
    %squeeze3A_72 = vector.extract %slice3A_71[0] : f32 from vector<1xf32>
    %gt3A_73 = arith.cmpf ogt, %squeeze3A_72, %select_n3A_70 : f32
    %select_n3A_74 = arith.constant 7 : i32
    %select_n3A_75 = arith.select %gt3A_73, %select_n3A_74, %select_n3A_69 : i32
    %select_n3A_76 = arith.select %gt3A_73, %squeeze3A_72, %select_n3A_70 : f32
    %add3A_77 = arith.constant 8 : i32
    %add3A_78 = arith.addi %mul3A_32, %add3A_77 : i32
    %add3A_79 = arith.constant 8 : i32
    %add3A_80 = arith.addi %mul3A_32, %add3A_79 : i32
    %add3A_81 = arith.constant 64 : i32
    %add3A_82 = arith.addi %add3A_80, %add3A_81 : i32
    %dma_start3A = arith.constant 0 : i32
    %dma_start3A_83 = arith.constant 0 : i32
    %dma_start3A_84 = tpu.memref_slice %arg6[%dma_start3A, %dma_start3A_83] : memref<56x1024xf32, #tpu.memory_space<vmem>> -> memref<8x1024xf32, #tpu.memory_space<vmem>>
    %dma_start3A_85 = arith.constant 0 : i32
    %dma_start3A_86 = tpu.memref_slice %arg2[%select_n3A_75, %select_n3A_9, %mul3A_32, %dma_start3A_85] : memref<8x2x2048x1024xf32, #tpu.memory_space<hbm>> -> memref<1x1x8x1024xf32, #tpu.memory_space<hbm>>
    %dma_start3A_87 = tpu.memref_squeeze %dma_start3A_86 : memref<1x1x8x1024xf32, #tpu.memory_space<hbm>> -> memref<8x1024xf32, #tpu.memory_space<hbm>>
    %dma_start3A_88 = arith.constant 0 : i32
    %dma_start3A_89 = arith.constant 0 : i32
    %dma_start3A_90 = tpu.memref_slice %arg6[%dma_start3A_88, %dma_start3A_89] : memref<56x1024xf32, #tpu.memory_space<vmem>> -> memref<8x1024xf32, #tpu.memory_space<vmem>>
    %dma_start3A_91 = arith.constant 0 : i32
    %dma_start3A_92 = tpu.memref_slice %arg2[%select_n3A_75, %select_n3A_9, %mul3A_32, %dma_start3A_91] : memref<8x2x2048x1024xf32, #tpu.memory_space<hbm>> -> memref<1x1x8x1024xf32, #tpu.memory_space<hbm>>
    %dma_start3A_93 = tpu.memref_squeeze %dma_start3A_92 : memref<1x1x8x1024xf32, #tpu.memory_space<hbm>> -> memref<8x1024xf32, #tpu.memory_space<hbm>>
    tpu.enqueue_dma source(%dma_start3A_93 : memref<8x1024xf32, #tpu.memory_space<hbm>>) target(%dma_start3A_90 : memref<8x1024xf32, #tpu.memory_space<vmem>>) target_semaphore(%arg8 : memref<!tpu.dma_semaphore, #tpu.memory_space<semaphore_mem>>)
    %dma_start3A_94 = arith.constant 0 : i32
    %dma_start3A_95 = tpu.memref_slice %arg2[%select_n3A_75, %select_n3A_9, %add3A_78, %dma_start3A_94] : memref<8x2x2048x1024xf32, #tpu.memory_space<hbm>> -> memref<1x1x64x1024xf32, #tpu.memory_space<hbm>>
    %dma_start3A_96 = tpu.memref_squeeze %dma_start3A_95 : memref<1x1x64x1024xf32, #tpu.memory_space<hbm>> -> memref<64x1024xf32, #tpu.memory_space<hbm>>
    %dma_start3A_97 = arith.constant 0 : i32
    %dma_start3A_98 = tpu.memref_slice %arg2[%select_n3A_75, %select_n3A_9, %add3A_78, %dma_start3A_97] : memref<8x2x2048x1024xf32, #tpu.memory_space<hbm>> -> memref<1x1x64x1024xf32, #tpu.memory_space<hbm>>
    %dma_start3A_99 = tpu.memref_squeeze %dma_start3A_98 : memref<1x1x64x1024xf32, #tpu.memory_space<hbm>> -> memref<64x1024xf32, #tpu.memory_space<hbm>>
    tpu.enqueue_dma source(%dma_start3A_99 : memref<64x1024xf32, #tpu.memory_space<hbm>>) target(%arg7 : memref<64x1024xf32, #tpu.memory_space<vmem>>) target_semaphore(%arg9 : memref<!tpu.dma_semaphore, #tpu.memory_space<semaphore_mem>>)
    %dma_wait3A = arith.constant 0 : i32
    %dma_wait3A_100 = arith.constant 0 : i32
    %dma_wait3A_101 = tpu.memref_slice %arg6[%dma_wait3A, %dma_wait3A_100] : memref<56x1024xf32, #tpu.memory_space<vmem>> -> memref<8x1024xf32, #tpu.memory_space<vmem>>
    %dma_wait3A_102 = arith.constant 0 : i32
    %dma_wait3A_103 = tpu.memref_slice %arg2[%select_n3A_75, %select_n3A_9, %mul3A_32, %dma_wait3A_102] : memref<8x2x2048x1024xf32, #tpu.memory_space<hbm>> -> memref<1x1x8x1024xf32, #tpu.memory_space<hbm>>
    %dma_wait3A_104 = tpu.memref_squeeze %dma_wait3A_103 : memref<1x1x8x1024xf32, #tpu.memory_space<hbm>> -> memref<8x1024xf32, #tpu.memory_space<hbm>>
    %dma_wait3A_105 = arith.constant 0 : i32
    %dma_wait3A_106 = arith.constant 0 : i32
    %dma_wait3A_107 = tpu.memref_slice %arg6[%dma_wait3A_105, %dma_wait3A_106] : memref<56x1024xf32, #tpu.memory_space<vmem>> -> memref<8x1024xf32, #tpu.memory_space<vmem>>
    %dma_wait3A_108 = arith.constant 0 : i32
    %dma_wait3A_109 = tpu.memref_slice %arg2[%select_n3A_75, %select_n3A_9, %mul3A_32, %dma_wait3A_108] : memref<8x2x2048x1024xf32, #tpu.memory_space<hbm>> -> memref<1x1x8x1024xf32, #tpu.memory_space<hbm>>
    %dma_wait3A_110 = tpu.memref_squeeze %dma_wait3A_109 : memref<1x1x8x1024xf32, #tpu.memory_space<hbm>> -> memref<8x1024xf32, #tpu.memory_space<hbm>>
    tpu.wait_dma2 semaphore(%arg8 : memref<!tpu.dma_semaphore, #tpu.memory_space<semaphore_mem>>) src(%dma_wait3A_110 : memref<8x1024xf32, #tpu.memory_space<hbm>>) dst(%dma_wait3A_107 : memref<8x1024xf32, #tpu.memory_space<vmem>>)
    %dma_start3A_111 = arith.constant 0 : i32
    %dma_start3A_112 = arith.constant 0 : i32
    %dma_start3A_113 = arith.constant 0 : i32
    %dma_start3A_114 = tpu.memref_slice %arg6[%dma_start3A_112, %dma_start3A_113] : memref<56x1024xf32, #tpu.memory_space<vmem>> -> memref<8x1024xf32, #tpu.memory_space<vmem>>
    %dma_start3A_115 = arith.constant 0 : i32
    %dma_start3A_116 = tpu.memref_slice %arg4[%dma_start3A_111, %select_n3A_9, %mul3A_32, %dma_start3A_115] : memref<8x2x2048x1024xf32, #tpu.memory_space<hbm>> -> memref<1x1x8x1024xf32, #tpu.memory_space<hbm>>
    %dma_start3A_117 = tpu.memref_squeeze %dma_start3A_116 : memref<1x1x8x1024xf32, #tpu.memory_space<hbm>> -> memref<8x1024xf32, #tpu.memory_space<hbm>>
    %dma_start3A_118 = arith.constant 0 : i32
    %dma_start3A_119 = tpu.memref_slice %arg4[%dma_start3A_111, %select_n3A_9, %mul3A_32, %dma_start3A_118] : memref<8x2x2048x1024xf32, #tpu.memory_space<hbm>> -> memref<1x1x8x1024xf32, #tpu.memory_space<hbm>>
    %dma_start3A_120 = tpu.memref_squeeze %dma_start3A_119 : memref<1x1x8x1024xf32, #tpu.memory_space<hbm>> -> memref<8x1024xf32, #tpu.memory_space<hbm>>
    %dma_start3A_121 = arith.constant 0 : i32
    %dma_start3A_122 = arith.constant 0 : i32
    %dma_start3A_123 = tpu.memref_slice %arg6[%dma_start3A_121, %dma_start3A_122] : memref<56x1024xf32, #tpu.memory_space<vmem>> -> memref<8x1024xf32, #tpu.memory_space<vmem>>
    tpu.enqueue_dma source(%dma_start3A_123 : memref<8x1024xf32, #tpu.memory_space<vmem>>) target(%dma_start3A_120 : memref<8x1024xf32, #tpu.memory_space<hbm>>) target_semaphore(%arg10 : memref<!tpu.dma_semaphore, #tpu.memory_space<semaphore_mem>>)
    %dma_start3A_124 = arith.constant 1 : i32
    %dma_start3A_125 = arith.constant 0 : i32
    %dma_start3A_126 = arith.constant 0 : i32
    %dma_start3A_127 = tpu.memref_slice %arg6[%dma_start3A_125, %dma_start3A_126] : memref<56x1024xf32, #tpu.memory_space<vmem>> -> memref<8x1024xf32, #tpu.memory_space<vmem>>
    %dma_start3A_128 = arith.constant 0 : i32
    %dma_start3A_129 = tpu.memref_slice %arg4[%dma_start3A_124, %select_n3A_9, %mul3A_32, %dma_start3A_128] : memref<8x2x2048x1024xf32, #tpu.memory_space<hbm>> -> memref<1x1x8x1024xf32, #tpu.memory_space<hbm>>
    %dma_start3A_130 = tpu.memref_squeeze %dma_start3A_129 : memref<1x1x8x1024xf32, #tpu.memory_space<hbm>> -> memref<8x1024xf32, #tpu.memory_space<hbm>>
    %dma_start3A_131 = arith.constant 0 : i32
    %dma_start3A_132 = tpu.memref_slice %arg4[%dma_start3A_124, %select_n3A_9, %mul3A_32, %dma_start3A_131] : memref<8x2x2048x1024xf32, #tpu.memory_space<hbm>> -> memref<1x1x8x1024xf32, #tpu.memory_space<hbm>>
    %dma_start3A_133 = tpu.memref_squeeze %dma_start3A_132 : memref<1x1x8x1024xf32, #tpu.memory_space<hbm>> -> memref<8x1024xf32, #tpu.memory_space<hbm>>
    %dma_start3A_134 = arith.constant 0 : i32
    %dma_start3A_135 = arith.constant 0 : i32
    %dma_start3A_136 = tpu.memref_slice %arg6[%dma_start3A_134, %dma_start3A_135] : memref<56x1024xf32, #tpu.memory_space<vmem>> -> memref<8x1024xf32, #tpu.memory_space<vmem>>
    tpu.enqueue_dma source(%dma_start3A_136 : memref<8x1024xf32, #tpu.memory_space<vmem>>) target(%dma_start3A_133 : memref<8x1024xf32, #tpu.memory_space<hbm>>) target_semaphore(%arg10 : memref<!tpu.dma_semaphore, #tpu.memory_space<semaphore_mem>>)
    %dma_start3A_137 = arith.constant 2 : i32
    %dma_start3A_138 = arith.constant 0 : i32
    %dma_start3A_139 = arith.constant 0 : i32
    %dma_start3A_140 = tpu.memref_slice %arg6[%dma_start3A_138, %dma_start3A_139] : memref<56x1024xf32, #tpu.memory_space<vmem>> -> memref<8x1024xf32, #tpu.memory_space<vmem>>
    %dma_start3A_141 = arith.constant 0 : i32
    %dma_start3A_142 = tpu.memref_slice %arg4[%dma_start3A_137, %select_n3A_9, %mul3A_32, %dma_start3A_141] : memref<8x2x2048x1024xf32, #tpu.memory_space<hbm>> -> memref<1x1x8x1024xf32, #tpu.memory_space<hbm>>
    %dma_start3A_143 = tpu.memref_squeeze %dma_start3A_142 : memref<1x1x8x1024xf32, #tpu.memory_space<hbm>> -> memref<8x1024xf32, #tpu.memory_space<hbm>>
    %dma_start3A_144 = arith.constant 0 : i32
    %dma_start3A_145 = tpu.memref_slice %arg4[%dma_start3A_137, %select_n3A_9, %mul3A_32, %dma_start3A_144] : memref<8x2x2048x1024xf32, #tpu.memory_space<hbm>> -> memref<1x1x8x1024xf32, #tpu.memory_space<hbm>>
    %dma_start3A_146 = tpu.memref_squeeze %dma_start3A_145 : memref<1x1x8x1024xf32, #tpu.memory_space<hbm>> -> memref<8x1024xf32, #tpu.memory_space<hbm>>
    %dma_start3A_147 = arith.constant 0 : i32
    %dma_start3A_148 = arith.constant 0 : i32
    %dma_start3A_149 = tpu.memref_slice %arg6[%dma_start3A_147, %dma_start3A_148] : memref<56x1024xf32, #tpu.memory_space<vmem>> -> memref<8x1024xf32, #tpu.memory_space<vmem>>
    tpu.enqueue_dma source(%dma_start3A_149 : memref<8x1024xf32, #tpu.memory_space<vmem>>) target(%dma_start3A_146 : memref<8x1024xf32, #tpu.memory_space<hbm>>) target_semaphore(%arg10 : memref<!tpu.dma_semaphore, #tpu.memory_space<semaphore_mem>>)
    %dma_start3A_150 = arith.constant 3 : i32
    %dma_start3A_151 = arith.constant 0 : i32
    %dma_start3A_152 = arith.constant 0 : i32
    %dma_start3A_153 = tpu.memref_slice %arg6[%dma_start3A_151, %dma_start3A_152] : memref<56x1024xf32, #tpu.memory_space<vmem>> -> memref<8x1024xf32, #tpu.memory_space<vmem>>
    %dma_start3A_154 = arith.constant 0 : i32
    %dma_start3A_155 = tpu.memref_slice %arg4[%dma_start3A_150, %select_n3A_9, %mul3A_32, %dma_start3A_154] : memref<8x2x2048x1024xf32, #tpu.memory_space<hbm>> -> memref<1x1x8x1024xf32, #tpu.memory_space<hbm>>
    %dma_start3A_156 = tpu.memref_squeeze %dma_start3A_155 : memref<1x1x8x1024xf32, #tpu.memory_space<hbm>> -> memref<8x1024xf32, #tpu.memory_space<hbm>>
    %dma_start3A_157 = arith.constant 0 : i32
    %dma_start3A_158 = tpu.memref_slice %arg4[%dma_start3A_150, %select_n3A_9, %mul3A_32, %dma_start3A_157] : memref<8x2x2048x1024xf32, #tpu.memory_space<hbm>> -> memref<1x1x8x1024xf32, #tpu.memory_space<hbm>>
    %dma_start3A_159 = tpu.memref_squeeze %dma_start3A_158 : memref<1x1x8x1024xf32, #tpu.memory_space<hbm>> -> memref<8x1024xf32, #tpu.memory_space<hbm>>
    %dma_start3A_160 = arith.constant 0 : i32
    %dma_start3A_161 = arith.constant 0 : i32
    %dma_start3A_162 = tpu.memref_slice %arg6[%dma_start3A_160, %dma_start3A_161] : memref<56x1024xf32, #tpu.memory_space<vmem>> -> memref<8x1024xf32, #tpu.memory_space<vmem>>
    tpu.enqueue_dma source(%dma_start3A_162 : memref<8x1024xf32, #tpu.memory_space<vmem>>) target(%dma_start3A_159 : memref<8x1024xf32, #tpu.memory_space<hbm>>) target_semaphore(%arg10 : memref<!tpu.dma_semaphore, #tpu.memory_space<semaphore_mem>>)
    %dma_start3A_163 = arith.constant 4 : i32
    %dma_start3A_164 = arith.constant 0 : i32
    %dma_start3A_165 = arith.constant 0 : i32
    %dma_start3A_166 = tpu.memref_slice %arg6[%dma_start3A_164, %dma_start3A_165] : memref<56x1024xf32, #tpu.memory_space<vmem>> -> memref<8x1024xf32, #tpu.memory_space<vmem>>
    %dma_start3A_167 = arith.constant 0 : i32
    %dma_start3A_168 = tpu.memref_slice %arg4[%dma_start3A_163, %select_n3A_9, %mul3A_32, %dma_start3A_167] : memref<8x2x2048x1024xf32, #tpu.memory_space<hbm>> -> memref<1x1x8x1024xf32, #tpu.memory_space<hbm>>
    %dma_start3A_169 = tpu.memref_squeeze %dma_start3A_168 : memref<1x1x8x1024xf32, #tpu.memory_space<hbm>> -> memref<8x1024xf32, #tpu.memory_space<hbm>>
    %dma_start3A_170 = arith.constant 0 : i32
    %dma_start3A_171 = tpu.memref_slice %arg4[%dma_start3A_163, %select_n3A_9, %mul3A_32, %dma_start3A_170] : memref<8x2x2048x1024xf32, #tpu.memory_space<hbm>> -> memref<1x1x8x1024xf32, #tpu.memory_space<hbm>>
    %dma_start3A_172 = tpu.memref_squeeze %dma_start3A_171 : memref<1x1x8x1024xf32, #tpu.memory_space<hbm>> -> memref<8x1024xf32, #tpu.memory_space<hbm>>
    %dma_start3A_173 = arith.constant 0 : i32
    %dma_start3A_174 = arith.constant 0 : i32
    %dma_start3A_175 = tpu.memref_slice %arg6[%dma_start3A_173, %dma_start3A_174] : memref<56x1024xf32, #tpu.memory_space<vmem>> -> memref<8x1024xf32, #tpu.memory_space<vmem>>
    tpu.enqueue_dma source(%dma_start3A_175 : memref<8x1024xf32, #tpu.memory_space<vmem>>) target(%dma_start3A_172 : memref<8x1024xf32, #tpu.memory_space<hbm>>) target_semaphore(%arg10 : memref<!tpu.dma_semaphore, #tpu.memory_space<semaphore_mem>>)
    %dma_start3A_176 = arith.constant 5 : i32
    %dma_start3A_177 = arith.constant 0 : i32
    %dma_start3A_178 = arith.constant 0 : i32
    %dma_start3A_179 = tpu.memref_slice %arg6[%dma_start3A_177, %dma_start3A_178] : memref<56x1024xf32, #tpu.memory_space<vmem>> -> memref<8x1024xf32, #tpu.memory_space<vmem>>
    %dma_start3A_180 = arith.constant 0 : i32
    %dma_start3A_181 = tpu.memref_slice %arg4[%dma_start3A_176, %select_n3A_9, %mul3A_32, %dma_start3A_180] : memref<8x2x2048x1024xf32, #tpu.memory_space<hbm>> -> memref<1x1x8x1024xf32, #tpu.memory_space<hbm>>
    %dma_start3A_182 = tpu.memref_squeeze %dma_start3A_181 : memref<1x1x8x1024xf32, #tpu.memory_space<hbm>> -> memref<8x1024xf32, #tpu.memory_space<hbm>>
    %dma_start3A_183 = arith.constant 0 : i32
    %dma_start3A_184 = tpu.memref_slice %arg4[%dma_start3A_176, %select_n3A_9, %mul3A_32, %dma_start3A_183] : memref<8x2x2048x1024xf32, #tpu.memory_space<hbm>> -> memref<1x1x8x1024xf32, #tpu.memory_space<hbm>>
    %dma_start3A_185 = tpu.memref_squeeze %dma_start3A_184 : memref<1x1x8x1024xf32, #tpu.memory_space<hbm>> -> memref<8x1024xf32, #tpu.memory_space<hbm>>
    %dma_start3A_186 = arith.constant 0 : i32
    %dma_start3A_187 = arith.constant 0 : i32
    %dma_start3A_188 = tpu.memref_slice %arg6[%dma_start3A_186, %dma_start3A_187] : memref<56x1024xf32, #tpu.memory_space<vmem>> -> memref<8x1024xf32, #tpu.memory_space<vmem>>
    tpu.enqueue_dma source(%dma_start3A_188 : memref<8x1024xf32, #tpu.memory_space<vmem>>) target(%dma_start3A_185 : memref<8x1024xf32, #tpu.memory_space<hbm>>) target_semaphore(%arg10 : memref<!tpu.dma_semaphore, #tpu.memory_space<semaphore_mem>>)
    %dma_start3A_189 = arith.constant 6 : i32
    %dma_start3A_190 = arith.constant 0 : i32
    %dma_start3A_191 = arith.constant 0 : i32
    %dma_start3A_192 = tpu.memref_slice %arg6[%dma_start3A_190, %dma_start3A_191] : memref<56x1024xf32, #tpu.memory_space<vmem>> -> memref<8x1024xf32, #tpu.memory_space<vmem>>
    %dma_start3A_193 = arith.constant 0 : i32
    %dma_start3A_194 = tpu.memref_slice %arg4[%dma_start3A_189, %select_n3A_9, %mul3A_32, %dma_start3A_193] : memref<8x2x2048x1024xf32, #tpu.memory_space<hbm>> -> memref<1x1x8x1024xf32, #tpu.memory_space<hbm>>
    %dma_start3A_195 = tpu.memref_squeeze %dma_start3A_194 : memref<1x1x8x1024xf32, #tpu.memory_space<hbm>> -> memref<8x1024xf32, #tpu.memory_space<hbm>>
    %dma_start3A_196 = arith.constant 0 : i32
    %dma_start3A_197 = tpu.memref_slice %arg4[%dma_start3A_189, %select_n3A_9, %mul3A_32, %dma_start3A_196] : memref<8x2x2048x1024xf32, #tpu.memory_space<hbm>> -> memref<1x1x8x1024xf32, #tpu.memory_space<hbm>>
    %dma_start3A_198 = tpu.memref_squeeze %dma_start3A_197 : memref<1x1x8x1024xf32, #tpu.memory_space<hbm>> -> memref<8x1024xf32, #tpu.memory_space<hbm>>
    %dma_start3A_199 = arith.constant 0 : i32
    %dma_start3A_200 = arith.constant 0 : i32
    %dma_start3A_201 = tpu.memref_slice %arg6[%dma_start3A_199, %dma_start3A_200] : memref<56x1024xf32, #tpu.memory_space<vmem>> -> memref<8x1024xf32, #tpu.memory_space<vmem>>
    tpu.enqueue_dma source(%dma_start3A_201 : memref<8x1024xf32, #tpu.memory_space<vmem>>) target(%dma_start3A_198 : memref<8x1024xf32, #tpu.memory_space<hbm>>) target_semaphore(%arg10 : memref<!tpu.dma_semaphore, #tpu.memory_space<semaphore_mem>>)
    %dma_start3A_202 = arith.constant 7 : i32
    %dma_start3A_203 = arith.constant 0 : i32
    %dma_start3A_204 = arith.constant 0 : i32
    %dma_start3A_205 = tpu.memref_slice %arg6[%dma_start3A_203, %dma_start3A_204] : memref<56x1024xf32, #tpu.memory_space<vmem>> -> memref<8x1024xf32, #tpu.memory_space<vmem>>
    %dma_start3A_206 = arith.constant 0 : i32
    %dma_start3A_207 = tpu.memref_slice %arg4[%dma_start3A_202, %select_n3A_9, %mul3A_32, %dma_start3A_206] : memref<8x2x2048x1024xf32, #tpu.memory_space<hbm>> -> memref<1x1x8x1024xf32, #tpu.memory_space<hbm>>
    %dma_start3A_208 = tpu.memref_squeeze %dma_start3A_207 : memref<1x1x8x1024xf32, #tpu.memory_space<hbm>> -> memref<8x1024xf32, #tpu.memory_space<hbm>>
    %dma_start3A_209 = arith.constant 0 : i32
    %dma_start3A_210 = tpu.memref_slice %arg4[%dma_start3A_202, %select_n3A_9, %mul3A_32, %dma_start3A_209] : memref<8x2x2048x1024xf32, #tpu.memory_space<hbm>> -> memref<1x1x8x1024xf32, #tpu.memory_space<hbm>>
    %dma_start3A_211 = tpu.memref_squeeze %dma_start3A_210 : memref<1x1x8x1024xf32, #tpu.memory_space<hbm>> -> memref<8x1024xf32, #tpu.memory_space<hbm>>
    %dma_start3A_212 = arith.constant 0 : i32
    %dma_start3A_213 = arith.constant 0 : i32
    %dma_start3A_214 = tpu.memref_slice %arg6[%dma_start3A_212, %dma_start3A_213] : memref<56x1024xf32, #tpu.memory_space<vmem>> -> memref<8x1024xf32, #tpu.memory_space<vmem>>
    tpu.enqueue_dma source(%dma_start3A_214 : memref<8x1024xf32, #tpu.memory_space<vmem>>) target(%dma_start3A_211 : memref<8x1024xf32, #tpu.memory_space<hbm>>) target_semaphore(%arg10 : memref<!tpu.dma_semaphore, #tpu.memory_space<semaphore_mem>>)
    %dma_wait3A_215 = arith.constant 0 : i32
    %dma_wait3A_216 = tpu.memref_slice %arg2[%select_n3A_75, %select_n3A_9, %add3A_78, %dma_wait3A_215] : memref<8x2x2048x1024xf32, #tpu.memory_space<hbm>> -> memref<1x1x64x1024xf32, #tpu.memory_space<hbm>>
    %dma_wait3A_217 = tpu.memref_squeeze %dma_wait3A_216 : memref<1x1x64x1024xf32, #tpu.memory_space<hbm>> -> memref<64x1024xf32, #tpu.memory_space<hbm>>
    %dma_wait3A_218 = arith.constant 0 : i32
    %dma_wait3A_219 = tpu.memref_slice %arg2[%select_n3A_75, %select_n3A_9, %add3A_78, %dma_wait3A_218] : memref<8x2x2048x1024xf32, #tpu.memory_space<hbm>> -> memref<1x1x64x1024xf32, #tpu.memory_space<hbm>>
    %dma_wait3A_220 = tpu.memref_squeeze %dma_wait3A_219 : memref<1x1x64x1024xf32, #tpu.memory_space<hbm>> -> memref<64x1024xf32, #tpu.memory_space<hbm>>
    tpu.wait_dma2 semaphore(%arg9 : memref<!tpu.dma_semaphore, #tpu.memory_space<semaphore_mem>>) src(%dma_wait3A_220 : memref<64x1024xf32, #tpu.memory_space<hbm>>) dst(%arg7 : memref<64x1024xf32, #tpu.memory_space<vmem>>)
    %dma_start3A_221 = arith.constant 0 : i32
    %dma_start3A_222 = arith.constant 0 : i32
    %dma_start3A_223 = tpu.memref_slice %arg4[%dma_start3A_221, %select_n3A_9, %add3A_78, %dma_start3A_222] : memref<8x2x2048x1024xf32, #tpu.memory_space<hbm>> -> memref<1x1x64x1024xf32, #tpu.memory_space<hbm>>
    %dma_start3A_224 = tpu.memref_squeeze %dma_start3A_223 : memref<1x1x64x1024xf32, #tpu.memory_space<hbm>> -> memref<64x1024xf32, #tpu.memory_space<hbm>>
    %dma_start3A_225 = arith.constant 0 : i32
    %dma_start3A_226 = tpu.memref_slice %arg4[%dma_start3A_221, %select_n3A_9, %add3A_78, %dma_start3A_225] : memref<8x2x2048x1024xf32, #tpu.memory_space<hbm>> -> memref<1x1x64x1024xf32, #tpu.memory_space<hbm>>
    %dma_start3A_227 = tpu.memref_squeeze %dma_start3A_226 : memref<1x1x64x1024xf32, #tpu.memory_space<hbm>> -> memref<64x1024xf32, #tpu.memory_space<hbm>>
    tpu.enqueue_dma source(%arg7 : memref<64x1024xf32, #tpu.memory_space<vmem>>) target(%dma_start3A_227 : memref<64x1024xf32, #tpu.memory_space<hbm>>) target_semaphore(%arg11 : memref<!tpu.dma_semaphore, #tpu.memory_space<semaphore_mem>>)
    %dma_start3A_228 = arith.constant 1 : i32
    %dma_start3A_229 = arith.constant 0 : i32
    %dma_start3A_230 = tpu.memref_slice %arg4[%dma_start3A_228, %select_n3A_9, %add3A_78, %dma_start3A_229] : memref<8x2x2048x1024xf32, #tpu.memory_space<hbm>> -> memref<1x1x64x1024xf32, #tpu.memory_space<hbm>>
    %dma_start3A_231 = tpu.memref_squeeze %dma_start3A_230 : memref<1x1x64x1024xf32, #tpu.memory_space<hbm>> -> memref<64x1024xf32, #tpu.memory_space<hbm>>
    %dma_start3A_232 = arith.constant 0 : i32
    %dma_start3A_233 = tpu.memref_slice %arg4[%dma_start3A_228, %select_n3A_9, %add3A_78, %dma_start3A_232] : memref<8x2x2048x1024xf32, #tpu.memory_space<hbm>> -> memref<1x1x64x1024xf32, #tpu.memory_space<hbm>>
    %dma_start3A_234 = tpu.memref_squeeze %dma_start3A_233 : memref<1x1x64x1024xf32, #tpu.memory_space<hbm>> -> memref<64x1024xf32, #tpu.memory_space<hbm>>
    tpu.enqueue_dma source(%arg7 : memref<64x1024xf32, #tpu.memory_space<vmem>>) target(%dma_start3A_234 : memref<64x1024xf32, #tpu.memory_space<hbm>>) target_semaphore(%arg11 : memref<!tpu.dma_semaphore, #tpu.memory_space<semaphore_mem>>)
    %dma_start3A_235 = arith.constant 2 : i32
    %dma_start3A_236 = arith.constant 0 : i32
    %dma_start3A_237 = tpu.memref_slice %arg4[%dma_start3A_235, %select_n3A_9, %add3A_78, %dma_start3A_236] : memref<8x2x2048x1024xf32, #tpu.memory_space<hbm>> -> memref<1x1x64x1024xf32, #tpu.memory_space<hbm>>
    %dma_start3A_238 = tpu.memref_squeeze %dma_start3A_237 : memref<1x1x64x1024xf32, #tpu.memory_space<hbm>> -> memref<64x1024xf32, #tpu.memory_space<hbm>>
    %dma_start3A_239 = arith.constant 0 : i32
    %dma_start3A_240 = tpu.memref_slice %arg4[%dma_start3A_235, %select_n3A_9, %add3A_78, %dma_start3A_239] : memref<8x2x2048x1024xf32, #tpu.memory_space<hbm>> -> memref<1x1x64x1024xf32, #tpu.memory_space<hbm>>
    %dma_start3A_241 = tpu.memref_squeeze %dma_start3A_240 : memref<1x1x64x1024xf32, #tpu.memory_space<hbm>> -> memref<64x1024xf32, #tpu.memory_space<hbm>>
    tpu.enqueue_dma source(%arg7 : memref<64x1024xf32, #tpu.memory_space<vmem>>) target(%dma_start3A_241 : memref<64x1024xf32, #tpu.memory_space<hbm>>) target_semaphore(%arg11 : memref<!tpu.dma_semaphore, #tpu.memory_space<semaphore_mem>>)
    %dma_start3A_242 = arith.constant 3 : i32
    %dma_start3A_243 = arith.constant 0 : i32
    %dma_start3A_244 = tpu.memref_slice %arg4[%dma_start3A_242, %select_n3A_9, %add3A_78, %dma_start3A_243] : memref<8x2x2048x1024xf32, #tpu.memory_space<hbm>> -> memref<1x1x64x1024xf32, #tpu.memory_space<hbm>>
    %dma_start3A_245 = tpu.memref_squeeze %dma_start3A_244 : memref<1x1x64x1024xf32, #tpu.memory_space<hbm>> -> memref<64x1024xf32, #tpu.memory_space<hbm>>
    %dma_start3A_246 = arith.constant 0 : i32
    %dma_start3A_247 = tpu.memref_slice %arg4[%dma_start3A_242, %select_n3A_9, %add3A_78, %dma_start3A_246] : memref<8x2x2048x1024xf32, #tpu.memory_space<hbm>> -> memref<1x1x64x1024xf32, #tpu.memory_space<hbm>>
    %dma_start3A_248 = tpu.memref_squeeze %dma_start3A_247 : memref<1x1x64x1024xf32, #tpu.memory_space<hbm>> -> memref<64x1024xf32, #tpu.memory_space<hbm>>
    tpu.enqueue_dma source(%arg7 : memref<64x1024xf32, #tpu.memory_space<vmem>>) target(%dma_start3A_248 : memref<64x1024xf32, #tpu.memory_space<hbm>>) target_semaphore(%arg11 : memref<!tpu.dma_semaphore, #tpu.memory_space<semaphore_mem>>)
    %dma_start3A_249 = arith.constant 4 : i32
    %dma_start3A_250 = arith.constant 0 : i32
    %dma_start3A_251 = tpu.memref_slice %arg4[%dma_start3A_249, %select_n3A_9, %add3A_78, %dma_start3A_250] : memref<8x2x2048x1024xf32, #tpu.memory_space<hbm>> -> memref<1x1x64x1024xf32, #tpu.memory_space<hbm>>
    %dma_start3A_252 = tpu.memref_squeeze %dma_start3A_251 : memref<1x1x64x1024xf32, #tpu.memory_space<hbm>> -> memref<64x1024xf32, #tpu.memory_space<hbm>>
    %dma_start3A_253 = arith.constant 0 : i32
    %dma_start3A_254 = tpu.memref_slice %arg4[%dma_start3A_249, %select_n3A_9, %add3A_78, %dma_start3A_253] : memref<8x2x2048x1024xf32, #tpu.memory_space<hbm>> -> memref<1x1x64x1024xf32, #tpu.memory_space<hbm>>
    %dma_start3A_255 = tpu.memref_squeeze %dma_start3A_254 : memref<1x1x64x1024xf32, #tpu.memory_space<hbm>> -> memref<64x1024xf32, #tpu.memory_space<hbm>>
    tpu.enqueue_dma source(%arg7 : memref<64x1024xf32, #tpu.memory_space<vmem>>) target(%dma_start3A_255 : memref<64x1024xf32, #tpu.memory_space<hbm>>) target_semaphore(%arg11 : memref<!tpu.dma_semaphore, #tpu.memory_space<semaphore_mem>>)
    %dma_start3A_256 = arith.constant 5 : i32
    %dma_start3A_257 = arith.constant 0 : i32
    %dma_start3A_258 = tpu.memref_slice %arg4[%dma_start3A_256, %select_n3A_9, %add3A_78, %dma_start3A_257] : memref<8x2x2048x1024xf32, #tpu.memory_space<hbm>> -> memref<1x1x64x1024xf32, #tpu.memory_space<hbm>>
    %dma_start3A_259 = tpu.memref_squeeze %dma_start3A_258 : memref<1x1x64x1024xf32, #tpu.memory_space<hbm>> -> memref<64x1024xf32, #tpu.memory_space<hbm>>
    %dma_start3A_260 = arith.constant 0 : i32
    %dma_start3A_261 = tpu.memref_slice %arg4[%dma_start3A_256, %select_n3A_9, %add3A_78, %dma_start3A_260] : memref<8x2x2048x1024xf32, #tpu.memory_space<hbm>> -> memref<1x1x64x1024xf32, #tpu.memory_space<hbm>>
    %dma_start3A_262 = tpu.memref_squeeze %dma_start3A_261 : memref<1x1x64x1024xf32, #tpu.memory_space<hbm>> -> memref<64x1024xf32, #tpu.memory_space<hbm>>
    tpu.enqueue_dma source(%arg7 : memref<64x1024xf32, #tpu.memory_space<vmem>>) target(%dma_start3A_262 : memref<64x1024xf32, #tpu.memory_space<hbm>>) target_semaphore(%arg11 : memref<!tpu.dma_semaphore, #tpu.memory_space<semaphore_mem>>)
    %dma_start3A_263 = arith.constant 6 : i32
    %dma_start3A_264 = arith.constant 0 : i32
    %dma_start3A_265 = tpu.memref_slice %arg4[%dma_start3A_263, %select_n3A_9, %add3A_78, %dma_start3A_264] : memref<8x2x2048x1024xf32, #tpu.memory_space<hbm>> -> memref<1x1x64x1024xf32, #tpu.memory_space<hbm>>
    %dma_start3A_266 = tpu.memref_squeeze %dma_start3A_265 : memref<1x1x64x1024xf32, #tpu.memory_space<hbm>> -> memref<64x1024xf32, #tpu.memory_space<hbm>>
    %dma_start3A_267 = arith.constant 0 : i32
    %dma_start3A_268 = tpu.memref_slice %arg4[%dma_start3A_263, %select_n3A_9, %add3A_78, %dma_start3A_267] : memref<8x2x2048x1024xf32, #tpu.memory_space<hbm>> -> memref<1x1x64x1024xf32, #tpu.memory_space<hbm>>
    %dma_start3A_269 = tpu.memref_squeeze %dma_start3A_268 : memref<1x1x64x1024xf32, #tpu.memory_space<hbm>> -> memref<64x1024xf32, #tpu.memory_space<hbm>>
    tpu.enqueue_dma source(%arg7 : memref<64x1024xf32, #tpu.memory_space<vmem>>) target(%dma_start3A_269 : memref<64x1024xf32, #tpu.memory_space<hbm>>) target_semaphore(%arg11 : memref<!tpu.dma_semaphore, #tpu.memory_space<semaphore_mem>>)
    %dma_start3A_270 = arith.constant 7 : i32
    %dma_start3A_271 = arith.constant 0 : i32
    %dma_start3A_272 = tpu.memref_slice %arg4[%dma_start3A_270, %select_n3A_9, %add3A_78, %dma_start3A_271] : memref<8x2x2048x1024xf32, #tpu.memory_space<hbm>> -> memref<1x1x64x1024xf32, #tpu.memory_space<hbm>>
    %dma_start3A_273 = tpu.memref_squeeze %dma_start3A_272 : memref<1x1x64x1024xf32, #tpu.memory_space<hbm>> -> memref<64x1024xf32, #tpu.memory_space<hbm>>
    %dma_start3A_274 = arith.constant 0 : i32
    %dma_start3A_275 = tpu.memref_slice %arg4[%dma_start3A_270, %select_n3A_9, %add3A_78, %dma_start3A_274] : memref<8x2x2048x1024xf32, #tpu.memory_space<hbm>> -> memref<1x1x64x1024xf32, #tpu.memory_space<hbm>>
    %dma_start3A_276 = tpu.memref_squeeze %dma_start3A_275 : memref<1x1x64x1024xf32, #tpu.memory_space<hbm>> -> memref<64x1024xf32, #tpu.memory_space<hbm>>
    tpu.enqueue_dma source(%arg7 : memref<64x1024xf32, #tpu.memory_space<vmem>>) target(%dma_start3A_276 : memref<64x1024xf32, #tpu.memory_space<hbm>>) target_semaphore(%arg11 : memref<!tpu.dma_semaphore, #tpu.memory_space<semaphore_mem>>)
    %dma_wait3A_277 = arith.constant 0 : i32
    %dma_wait3A_278 = arith.constant 0 : i32
    %dma_wait3A_279 = arith.constant 0 : i32
    %dma_wait3A_280 = tpu.memref_slice %arg6[%dma_wait3A_278, %dma_wait3A_279] : memref<56x1024xf32, #tpu.memory_space<vmem>> -> memref<8x1024xf32, #tpu.memory_space<vmem>>
    %dma_wait3A_281 = arith.constant 0 : i32
    %dma_wait3A_282 = tpu.memref_slice %arg4[%dma_wait3A_277, %select_n3A_9, %mul3A_32, %dma_wait3A_281] : memref<8x2x2048x1024xf32, #tpu.memory_space<hbm>> -> memref<1x1x8x1024xf32, #tpu.memory_space<hbm>>
    %dma_wait3A_283 = tpu.memref_squeeze %dma_wait3A_282 : memref<1x1x8x1024xf32, #tpu.memory_space<hbm>> -> memref<8x1024xf32, #tpu.memory_space<hbm>>
    %dma_wait3A_284 = arith.constant 0 : i32
    %dma_wait3A_285 = tpu.memref_slice %arg4[%dma_wait3A_277, %select_n3A_9, %mul3A_32, %dma_wait3A_284] : memref<8x2x2048x1024xf32, #tpu.memory_space<hbm>> -> memref<1x1x8x1024xf32, #tpu.memory_space<hbm>>
    %dma_wait3A_286 = tpu.memref_squeeze %dma_wait3A_285 : memref<1x1x8x1024xf32, #tpu.memory_space<hbm>> -> memref<8x1024xf32, #tpu.memory_space<hbm>>
    %dma_wait3A_287 = arith.constant 0 : i32
    %dma_wait3A_288 = arith.constant 0 : i32
    %dma_wait3A_289 = tpu.memref_slice %arg6[%dma_wait3A_287, %dma_wait3A_288] : memref<56x1024xf32, #tpu.memory_space<vmem>> -> memref<8x1024xf32, #tpu.memory_space<vmem>>
    tpu.wait_dma2 semaphore(%arg10 : memref<!tpu.dma_semaphore, #tpu.memory_space<semaphore_mem>>) src(%dma_wait3A_289 : memref<8x1024xf32, #tpu.memory_space<vmem>>) dst(%dma_wait3A_286 : memref<8x1024xf32, #tpu.memory_space<hbm>>)
    %dma_wait3A_290 = arith.constant 1 : i32
    %dma_wait3A_291 = arith.constant 0 : i32
    %dma_wait3A_292 = arith.constant 0 : i32
    %dma_wait3A_293 = tpu.memref_slice %arg6[%dma_wait3A_291, %dma_wait3A_292] : memref<56x1024xf32, #tpu.memory_space<vmem>> -> memref<8x1024xf32, #tpu.memory_space<vmem>>
    %dma_wait3A_294 = arith.constant 0 : i32
    %dma_wait3A_295 = tpu.memref_slice %arg4[%dma_wait3A_290, %select_n3A_9, %mul3A_32, %dma_wait3A_294] : memref<8x2x2048x1024xf32, #tpu.memory_space<hbm>> -> memref<1x1x8x1024xf32, #tpu.memory_space<hbm>>
    %dma_wait3A_296 = tpu.memref_squeeze %dma_wait3A_295 : memref<1x1x8x1024xf32, #tpu.memory_space<hbm>> -> memref<8x1024xf32, #tpu.memory_space<hbm>>
    %dma_wait3A_297 = arith.constant 0 : i32
    %dma_wait3A_298 = tpu.memref_slice %arg4[%dma_wait3A_290, %select_n3A_9, %mul3A_32, %dma_wait3A_297] : memref<8x2x2048x1024xf32, #tpu.memory_space<hbm>> -> memref<1x1x8x1024xf32, #tpu.memory_space<hbm>>
    %dma_wait3A_299 = tpu.memref_squeeze %dma_wait3A_298 : memref<1x1x8x1024xf32, #tpu.memory_space<hbm>> -> memref<8x1024xf32, #tpu.memory_space<hbm>>
    %dma_wait3A_300 = arith.constant 0 : i32
    %dma_wait3A_301 = arith.constant 0 : i32
    %dma_wait3A_302 = tpu.memref_slice %arg6[%dma_wait3A_300, %dma_wait3A_301] : memref<56x1024xf32, #tpu.memory_space<vmem>> -> memref<8x1024xf32, #tpu.memory_space<vmem>>
    tpu.wait_dma2 semaphore(%arg10 : memref<!tpu.dma_semaphore, #tpu.memory_space<semaphore_mem>>) src(%dma_wait3A_302 : memref<8x1024xf32, #tpu.memory_space<vmem>>) dst(%dma_wait3A_299 : memref<8x1024xf32, #tpu.memory_space<hbm>>)
    %dma_wait3A_303 = arith.constant 2 : i32
    %dma_wait3A_304 = arith.constant 0 : i32
    %dma_wait3A_305 = arith.constant 0 : i32
    %dma_wait3A_306 = tpu.memref_slice %arg6[%dma_wait3A_304, %dma_wait3A_305] : memref<56x1024xf32, #tpu.memory_space<vmem>> -> memref<8x1024xf32, #tpu.memory_space<vmem>>
    %dma_wait3A_307 = arith.constant 0 : i32
    %dma_wait3A_308 = tpu.memref_slice %arg4[%dma_wait3A_303, %select_n3A_9, %mul3A_32, %dma_wait3A_307] : memref<8x2x2048x1024xf32, #tpu.memory_space<hbm>> -> memref<1x1x8x1024xf32, #tpu.memory_space<hbm>>
    %dma_wait3A_309 = tpu.memref_squeeze %dma_wait3A_308 : memref<1x1x8x1024xf32, #tpu.memory_space<hbm>> -> memref<8x1024xf32, #tpu.memory_space<hbm>>
    %dma_wait3A_310 = arith.constant 0 : i32
    %dma_wait3A_311 = tpu.memref_slice %arg4[%dma_wait3A_303, %select_n3A_9, %mul3A_32, %dma_wait3A_310] : memref<8x2x2048x1024xf32, #tpu.memory_space<hbm>> -> memref<1x1x8x1024xf32, #tpu.memory_space<hbm>>
    %dma_wait3A_312 = tpu.memref_squeeze %dma_wait3A_311 : memref<1x1x8x1024xf32, #tpu.memory_space<hbm>> -> memref<8x1024xf32, #tpu.memory_space<hbm>>
    %dma_wait3A_313 = arith.constant 0 : i32
    %dma_wait3A_314 = arith.constant 0 : i32
    %dma_wait3A_315 = tpu.memref_slice %arg6[%dma_wait3A_313, %dma_wait3A_314] : memref<56x1024xf32, #tpu.memory_space<vmem>> -> memref<8x1024xf32, #tpu.memory_space<vmem>>
    tpu.wait_dma2 semaphore(%arg10 : memref<!tpu.dma_semaphore, #tpu.memory_space<semaphore_mem>>) src(%dma_wait3A_315 : memref<8x1024xf32, #tpu.memory_space<vmem>>) dst(%dma_wait3A_312 : memref<8x1024xf32, #tpu.memory_space<hbm>>)
    %dma_wait3A_316 = arith.constant 3 : i32
    %dma_wait3A_317 = arith.constant 0 : i32
    %dma_wait3A_318 = arith.constant 0 : i32
    %dma_wait3A_319 = tpu.memref_slice %arg6[%dma_wait3A_317, %dma_wait3A_318] : memref<56x1024xf32, #tpu.memory_space<vmem>> -> memref<8x1024xf32, #tpu.memory_space<vmem>>
    %dma_wait3A_320 = arith.constant 0 : i32
    %dma_wait3A_321 = tpu.memref_slice %arg4[%dma_wait3A_316, %select_n3A_9, %mul3A_32, %dma_wait3A_320] : memref<8x2x2048x1024xf32, #tpu.memory_space<hbm>> -> memref<1x1x8x1024xf32, #tpu.memory_space<hbm>>
    %dma_wait3A_322 = tpu.memref_squeeze %dma_wait3A_321 : memref<1x1x8x1024xf32, #tpu.memory_space<hbm>> -> memref<8x1024xf32, #tpu.memory_space<hbm>>
    %dma_wait3A_323 = arith.constant 0 : i32
    %dma_wait3A_324 = tpu.memref_slice %arg4[%dma_wait3A_316, %select_n3A_9, %mul3A_32, %dma_wait3A_323] : memref<8x2x2048x1024xf32, #tpu.memory_space<hbm>> -> memref<1x1x8x1024xf32, #tpu.memory_space<hbm>>
    %dma_wait3A_325 = tpu.memref_squeeze %dma_wait3A_324 : memref<1x1x8x1024xf32, #tpu.memory_space<hbm>> -> memref<8x1024xf32, #tpu.memory_space<hbm>>
    %dma_wait3A_326 = arith.constant 0 : i32
    %dma_wait3A_327 = arith.constant 0 : i32
    %dma_wait3A_328 = tpu.memref_slice %arg6[%dma_wait3A_326, %dma_wait3A_327] : memref<56x1024xf32, #tpu.memory_space<vmem>> -> memref<8x1024xf32, #tpu.memory_space<vmem>>
    tpu.wait_dma2 semaphore(%arg10 : memref<!tpu.dma_semaphore, #tpu.memory_space<semaphore_mem>>) src(%dma_wait3A_328 : memref<8x1024xf32, #tpu.memory_space<vmem>>) dst(%dma_wait3A_325 : memref<8x1024xf32, #tpu.memory_space<hbm>>)
    %dma_wait3A_329 = arith.constant 4 : i32
    %dma_wait3A_330 = arith.constant 0 : i32
    %dma_wait3A_331 = arith.constant 0 : i32
    %dma_wait3A_332 = tpu.memref_slice %arg6[%dma_wait3A_330, %dma_wait3A_331] : memref<56x1024xf32, #tpu.memory_space<vmem>> -> memref<8x1024xf32, #tpu.memory_space<vmem>>
    %dma_wait3A_333 = arith.constant 0 : i32
    %dma_wait3A_334 = tpu.memref_slice %arg4[%dma_wait3A_329, %select_n3A_9, %mul3A_32, %dma_wait3A_333] : memref<8x2x2048x1024xf32, #tpu.memory_space<hbm>> -> memref<1x1x8x1024xf32, #tpu.memory_space<hbm>>
    %dma_wait3A_335 = tpu.memref_squeeze %dma_wait3A_334 : memref<1x1x8x1024xf32, #tpu.memory_space<hbm>> -> memref<8x1024xf32, #tpu.memory_space<hbm>>
    %dma_wait3A_336 = arith.constant 0 : i32
    %dma_wait3A_337 = tpu.memref_slice %arg4[%dma_wait3A_329, %select_n3A_9, %mul3A_32, %dma_wait3A_336] : memref<8x2x2048x1024xf32, #tpu.memory_space<hbm>> -> memref<1x1x8x1024xf32, #tpu.memory_space<hbm>>
    %dma_wait3A_338 = tpu.memref_squeeze %dma_wait3A_337 : memref<1x1x8x1024xf32, #tpu.memory_space<hbm>> -> memref<8x1024xf32, #tpu.memory_space<hbm>>
    %dma_wait3A_339 = arith.constant 0 : i32
    %dma_wait3A_340 = arith.constant 0 : i32
    %dma_wait3A_341 = tpu.memref_slice %arg6[%dma_wait3A_339, %dma_wait3A_340] : memref<56x1024xf32, #tpu.memory_space<vmem>> -> memref<8x1024xf32, #tpu.memory_space<vmem>>
    tpu.wait_dma2 semaphore(%arg10 : memref<!tpu.dma_semaphore, #tpu.memory_space<semaphore_mem>>) src(%dma_wait3A_341 : memref<8x1024xf32, #tpu.memory_space<vmem>>) dst(%dma_wait3A_338 : memref<8x1024xf32, #tpu.memory_space<hbm>>)
    %dma_wait3A_342 = arith.constant 5 : i32
    %dma_wait3A_343 = arith.constant 0 : i32
    %dma_wait3A_344 = arith.constant 0 : i32
    %dma_wait3A_345 = tpu.memref_slice %arg6[%dma_wait3A_343, %dma_wait3A_344] : memref<56x1024xf32, #tpu.memory_space<vmem>> -> memref<8x1024xf32, #tpu.memory_space<vmem>>
    %dma_wait3A_346 = arith.constant 0 : i32
    %dma_wait3A_347 = tpu.memref_slice %arg4[%dma_wait3A_342, %select_n3A_9, %mul3A_32, %dma_wait3A_346] : memref<8x2x2048x1024xf32, #tpu.memory_space<hbm>> -> memref<1x1x8x1024xf32, #tpu.memory_space<hbm>>
    %dma_wait3A_348 = tpu.memref_squeeze %dma_wait3A_347 : memref<1x1x8x1024xf32, #tpu.memory_space<hbm>> -> memref<8x1024xf32, #tpu.memory_space<hbm>>
    %dma_wait3A_349 = arith.constant 0 : i32
    %dma_wait3A_350 = tpu.memref_slice %arg4[%dma_wait3A_342, %select_n3A_9, %mul3A_32, %dma_wait3A_349] : memref<8x2x2048x1024xf32, #tpu.memory_space<hbm>> -> memref<1x1x8x1024xf32, #tpu.memory_space<hbm>>
    %dma_wait3A_351 = tpu.memref_squeeze %dma_wait3A_350 : memref<1x1x8x1024xf32, #tpu.memory_space<hbm>> -> memref<8x1024xf32, #tpu.memory_space<hbm>>
    %dma_wait3A_352 = arith.constant 0 : i32
    %dma_wait3A_353 = arith.constant 0 : i32
    %dma_wait3A_354 = tpu.memref_slice %arg6[%dma_wait3A_352, %dma_wait3A_353] : memref<56x1024xf32, #tpu.memory_space<vmem>> -> memref<8x1024xf32, #tpu.memory_space<vmem>>
    tpu.wait_dma2 semaphore(%arg10 : memref<!tpu.dma_semaphore, #tpu.memory_space<semaphore_mem>>) src(%dma_wait3A_354 : memref<8x1024xf32, #tpu.memory_space<vmem>>) dst(%dma_wait3A_351 : memref<8x1024xf32, #tpu.memory_space<hbm>>)
    %dma_wait3A_355 = arith.constant 6 : i32
    %dma_wait3A_356 = arith.constant 0 : i32
    %dma_wait3A_357 = arith.constant 0 : i32
    %dma_wait3A_358 = tpu.memref_slice %arg6[%dma_wait3A_356, %dma_wait3A_357] : memref<56x1024xf32, #tpu.memory_space<vmem>> -> memref<8x1024xf32, #tpu.memory_space<vmem>>
    %dma_wait3A_359 = arith.constant 0 : i32
    %dma_wait3A_360 = tpu.memref_slice %arg4[%dma_wait3A_355, %select_n3A_9, %mul3A_32, %dma_wait3A_359] : memref<8x2x2048x1024xf32, #tpu.memory_space<hbm>> -> memref<1x1x8x1024xf32, #tpu.memory_space<hbm>>
    %dma_wait3A_361 = tpu.memref_squeeze %dma_wait3A_360 : memref<1x1x8x1024xf32, #tpu.memory_space<hbm>> -> memref<8x1024xf32, #tpu.memory_space<hbm>>
    %dma_wait3A_362 = arith.constant 0 : i32
    %dma_wait3A_363 = tpu.memref_slice %arg4[%dma_wait3A_355, %select_n3A_9, %mul3A_32, %dma_wait3A_362] : memref<8x2x2048x1024xf32, #tpu.memory_space<hbm>> -> memref<1x1x8x1024xf32, #tpu.memory_space<hbm>>
    %dma_wait3A_364 = tpu.memref_squeeze %dma_wait3A_363 : memref<1x1x8x1024xf32, #tpu.memory_space<hbm>> -> memref<8x1024xf32, #tpu.memory_space<hbm>>
    %dma_wait3A_365 = arith.constant 0 : i32
    %dma_wait3A_366 = arith.constant 0 : i32
    %dma_wait3A_367 = tpu.memref_slice %arg6[%dma_wait3A_365, %dma_wait3A_366] : memref<56x1024xf32, #tpu.memory_space<vmem>> -> memref<8x1024xf32, #tpu.memory_space<vmem>>
    tpu.wait_dma2 semaphore(%arg10 : memref<!tpu.dma_semaphore, #tpu.memory_space<semaphore_mem>>) src(%dma_wait3A_367 : memref<8x1024xf32, #tpu.memory_space<vmem>>) dst(%dma_wait3A_364 : memref<8x1024xf32, #tpu.memory_space<hbm>>)
    %dma_wait3A_368 = arith.constant 7 : i32
    %dma_wait3A_369 = arith.constant 0 : i32
    %dma_wait3A_370 = arith.constant 0 : i32
    %dma_wait3A_371 = tpu.memref_slice %arg6[%dma_wait3A_369, %dma_wait3A_370] : memref<56x1024xf32, #tpu.memory_space<vmem>> -> memref<8x1024xf32, #tpu.memory_space<vmem>>
    %dma_wait3A_372 = arith.constant 0 : i32
    %dma_wait3A_373 = tpu.memref_slice %arg4[%dma_wait3A_368, %select_n3A_9, %mul3A_32, %dma_wait3A_372] : memref<8x2x2048x1024xf32, #tpu.memory_space<hbm>> -> memref<1x1x8x1024xf32, #tpu.memory_space<hbm>>
    %dma_wait3A_374 = tpu.memref_squeeze %dma_wait3A_373 : memref<1x1x8x1024xf32, #tpu.memory_space<hbm>> -> memref<8x1024xf32, #tpu.memory_space<hbm>>
    %dma_wait3A_375 = arith.constant 0 : i32
    %dma_wait3A_376 = tpu.memref_slice %arg4[%dma_wait3A_368, %select_n3A_9, %mul3A_32, %dma_wait3A_375] : memref<8x2x2048x1024xf32, #tpu.memory_space<hbm>> -> memref<1x1x8x1024xf32, #tpu.memory_space<hbm>>
    %dma_wait3A_377 = tpu.memref_squeeze %dma_wait3A_376 : memref<1x1x8x1024xf32, #tpu.memory_space<hbm>> -> memref<8x1024xf32, #tpu.memory_space<hbm>>
    %dma_wait3A_378 = arith.constant 0 : i32
    %dma_wait3A_379 = arith.constant 0 : i32
    %dma_wait3A_380 = tpu.memref_slice %arg6[%dma_wait3A_378, %dma_wait3A_379] : memref<56x1024xf32, #tpu.memory_space<vmem>> -> memref<8x1024xf32, #tpu.memory_space<vmem>>
    tpu.wait_dma2 semaphore(%arg10 : memref<!tpu.dma_semaphore, #tpu.memory_space<semaphore_mem>>) src(%dma_wait3A_380 : memref<8x1024xf32, #tpu.memory_space<vmem>>) dst(%dma_wait3A_377 : memref<8x1024xf32, #tpu.memory_space<hbm>>)
    %dma_start3A_381 = arith.constant 0 : i32
    %dma_start3A_382 = tpu.memref_slice %arg2[%select_n3A_75, %select_n3A_9, %add3A_82, %dma_start3A_381] : memref<8x2x2048x1024xf32, #tpu.memory_space<hbm>> -> memref<1x1x56x1024xf32, #tpu.memory_space<hbm>>
    %dma_start3A_383 = tpu.memref_squeeze %dma_start3A_382 : memref<1x1x56x1024xf32, #tpu.memory_space<hbm>> -> memref<56x1024xf32, #tpu.memory_space<hbm>>
    %dma_start3A_384 = arith.constant 0 : i32
    %dma_start3A_385 = tpu.memref_slice %arg2[%select_n3A_75, %select_n3A_9, %add3A_82, %dma_start3A_384] : memref<8x2x2048x1024xf32, #tpu.memory_space<hbm>> -> memref<1x1x56x1024xf32, #tpu.memory_space<hbm>>
    %dma_start3A_386 = tpu.memref_squeeze %dma_start3A_385 : memref<1x1x56x1024xf32, #tpu.memory_space<hbm>> -> memref<56x1024xf32, #tpu.memory_space<hbm>>
    tpu.enqueue_dma source(%dma_start3A_386 : memref<56x1024xf32, #tpu.memory_space<hbm>>) target(%arg6 : memref<56x1024xf32, #tpu.memory_space<vmem>>) target_semaphore(%arg8 : memref<!tpu.dma_semaphore, #tpu.memory_space<semaphore_mem>>)
    %dma_wait3A_387 = arith.constant 0 : i32
    %dma_wait3A_388 = arith.constant 0 : i32
    %dma_wait3A_389 = tpu.memref_slice %arg4[%dma_wait3A_387, %select_n3A_9, %add3A_78, %dma_wait3A_388] : memref<8x2x2048x1024xf32, #tpu.memory_space<hbm>> -> memref<1x1x64x1024xf32, #tpu.memory_space<hbm>>
    %dma_wait3A_390 = tpu.memref_squeeze %dma_wait3A_389 : memref<1x1x64x1024xf32, #tpu.memory_space<hbm>> -> memref<64x1024xf32, #tpu.memory_space<hbm>>
    %dma_wait3A_391 = arith.constant 0 : i32
    %dma_wait3A_392 = tpu.memref_slice %arg4[%dma_wait3A_387, %select_n3A_9, %add3A_78, %dma_wait3A_391] : memref<8x2x2048x1024xf32, #tpu.memory_space<hbm>> -> memref<1x1x64x1024xf32, #tpu.memory_space<hbm>>
    %dma_wait3A_393 = tpu.memref_squeeze %dma_wait3A_392 : memref<1x1x64x1024xf32, #tpu.memory_space<hbm>> -> memref<64x1024xf32, #tpu.memory_space<hbm>>
    tpu.wait_dma2 semaphore(%arg11 : memref<!tpu.dma_semaphore, #tpu.memory_space<semaphore_mem>>) src(%arg7 : memref<64x1024xf32, #tpu.memory_space<vmem>>) dst(%dma_wait3A_393 : memref<64x1024xf32, #tpu.memory_space<hbm>>)
    %dma_wait3A_394 = arith.constant 1 : i32
    %dma_wait3A_395 = arith.constant 0 : i32
    %dma_wait3A_396 = tpu.memref_slice %arg4[%dma_wait3A_394, %select_n3A_9, %add3A_78, %dma_wait3A_395] : memref<8x2x2048x1024xf32, #tpu.memory_space<hbm>> -> memref<1x1x64x1024xf32, #tpu.memory_space<hbm>>
    %dma_wait3A_397 = tpu.memref_squeeze %dma_wait3A_396 : memref<1x1x64x1024xf32, #tpu.memory_space<hbm>> -> memref<64x1024xf32, #tpu.memory_space<hbm>>
    %dma_wait3A_398 = arith.constant 0 : i32
    %dma_wait3A_399 = tpu.memref_slice %arg4[%dma_wait3A_394, %select_n3A_9, %add3A_78, %dma_wait3A_398] : memref<8x2x2048x1024xf32, #tpu.memory_space<hbm>> -> memref<1x1x64x1024xf32, #tpu.memory_space<hbm>>
    %dma_wait3A_400 = tpu.memref_squeeze %dma_wait3A_399 : memref<1x1x64x1024xf32, #tpu.memory_space<hbm>> -> memref<64x1024xf32, #tpu.memory_space<hbm>>
    tpu.wait_dma2 semaphore(%arg11 : memref<!tpu.dma_semaphore, #tpu.memory_space<semaphore_mem>>) src(%arg7 : memref<64x1024xf32, #tpu.memory_space<vmem>>) dst(%dma_wait3A_400 : memref<64x1024xf32, #tpu.memory_space<hbm>>)
    %dma_wait3A_401 = arith.constant 2 : i32
    %dma_wait3A_402 = arith.constant 0 : i32
    %dma_wait3A_403 = tpu.memref_slice %arg4[%dma_wait3A_401, %select_n3A_9, %add3A_78, %dma_wait3A_402] : memref<8x2x2048x1024xf32, #tpu.memory_space<hbm>> -> memref<1x1x64x1024xf32, #tpu.memory_space<hbm>>
    %dma_wait3A_404 = tpu.memref_squeeze %dma_wait3A_403 : memref<1x1x64x1024xf32, #tpu.memory_space<hbm>> -> memref<64x1024xf32, #tpu.memory_space<hbm>>
    %dma_wait3A_405 = arith.constant 0 : i32
    %dma_wait3A_406 = tpu.memref_slice %arg4[%dma_wait3A_401, %select_n3A_9, %add3A_78, %dma_wait3A_405] : memref<8x2x2048x1024xf32, #tpu.memory_space<hbm>> -> memref<1x1x64x1024xf32, #tpu.memory_space<hbm>>
    %dma_wait3A_407 = tpu.memref_squeeze %dma_wait3A_406 : memref<1x1x64x1024xf32, #tpu.memory_space<hbm>> -> memref<64x1024xf32, #tpu.memory_space<hbm>>
    tpu.wait_dma2 semaphore(%arg11 : memref<!tpu.dma_semaphore, #tpu.memory_space<semaphore_mem>>) src(%arg7 : memref<64x1024xf32, #tpu.memory_space<vmem>>) dst(%dma_wait3A_407 : memref<64x1024xf32, #tpu.memory_space<hbm>>)
    %dma_wait3A_408 = arith.constant 3 : i32
    %dma_wait3A_409 = arith.constant 0 : i32
    %dma_wait3A_410 = tpu.memref_slice %arg4[%dma_wait3A_408, %select_n3A_9, %add3A_78, %dma_wait3A_409] : memref<8x2x2048x1024xf32, #tpu.memory_space<hbm>> -> memref<1x1x64x1024xf32, #tpu.memory_space<hbm>>
    %dma_wait3A_411 = tpu.memref_squeeze %dma_wait3A_410 : memref<1x1x64x1024xf32, #tpu.memory_space<hbm>> -> memref<64x1024xf32, #tpu.memory_space<hbm>>
    %dma_wait3A_412 = arith.constant 0 : i32
    %dma_wait3A_413 = tpu.memref_slice %arg4[%dma_wait3A_408, %select_n3A_9, %add3A_78, %dma_wait3A_412] : memref<8x2x2048x1024xf32, #tpu.memory_space<hbm>> -> memref<1x1x64x1024xf32, #tpu.memory_space<hbm>>
    %dma_wait3A_414 = tpu.memref_squeeze %dma_wait3A_413 : memref<1x1x64x1024xf32, #tpu.memory_space<hbm>> -> memref<64x1024xf32, #tpu.memory_space<hbm>>
    tpu.wait_dma2 semaphore(%arg11 : memref<!tpu.dma_semaphore, #tpu.memory_space<semaphore_mem>>) src(%arg7 : memref<64x1024xf32, #tpu.memory_space<vmem>>) dst(%dma_wait3A_414 : memref<64x1024xf32, #tpu.memory_space<hbm>>)
    %dma_wait3A_415 = arith.constant 4 : i32
    %dma_wait3A_416 = arith.constant 0 : i32
    %dma_wait3A_417 = tpu.memref_slice %arg4[%dma_wait3A_415, %select_n3A_9, %add3A_78, %dma_wait3A_416] : memref<8x2x2048x1024xf32, #tpu.memory_space<hbm>> -> memref<1x1x64x1024xf32, #tpu.memory_space<hbm>>
    %dma_wait3A_418 = tpu.memref_squeeze %dma_wait3A_417 : memref<1x1x64x1024xf32, #tpu.memory_space<hbm>> -> memref<64x1024xf32, #tpu.memory_space<hbm>>
    %dma_wait3A_419 = arith.constant 0 : i32
    %dma_wait3A_420 = tpu.memref_slice %arg4[%dma_wait3A_415, %select_n3A_9, %add3A_78, %dma_wait3A_419] : memref<8x2x2048x1024xf32, #tpu.memory_space<hbm>> -> memref<1x1x64x1024xf32, #tpu.memory_space<hbm>>
    %dma_wait3A_421 = tpu.memref_squeeze %dma_wait3A_420 : memref<1x1x64x1024xf32, #tpu.memory_space<hbm>> -> memref<64x1024xf32, #tpu.memory_space<hbm>>
    tpu.wait_dma2 semaphore(%arg11 : memref<!tpu.dma_semaphore, #tpu.memory_space<semaphore_mem>>) src(%arg7 : memref<64x1024xf32, #tpu.memory_space<vmem>>) dst(%dma_wait3A_421 : memref<64x1024xf32, #tpu.memory_space<hbm>>)
    %dma_wait3A_422 = arith.constant 5 : i32
    %dma_wait3A_423 = arith.constant 0 : i32
    %dma_wait3A_424 = tpu.memref_slice %arg4[%dma_wait3A_422, %select_n3A_9, %add3A_78, %dma_wait3A_423] : memref<8x2x2048x1024xf32, #tpu.memory_space<hbm>> -> memref<1x1x64x1024xf32, #tpu.memory_space<hbm>>
    %dma_wait3A_425 = tpu.memref_squeeze %dma_wait3A_424 : memref<1x1x64x1024xf32, #tpu.memory_space<hbm>> -> memref<64x1024xf32, #tpu.memory_space<hbm>>
    %dma_wait3A_426 = arith.constant 0 : i32
    %dma_wait3A_427 = tpu.memref_slice %arg4[%dma_wait3A_422, %select_n3A_9, %add3A_78, %dma_wait3A_426] : memref<8x2x2048x1024xf32, #tpu.memory_space<hbm>> -> memref<1x1x64x1024xf32, #tpu.memory_space<hbm>>
    %dma_wait3A_428 = tpu.memref_squeeze %dma_wait3A_427 : memref<1x1x64x1024xf32, #tpu.memory_space<hbm>> -> memref<64x1024xf32, #tpu.memory_space<hbm>>
    tpu.wait_dma2 semaphore(%arg11 : memref<!tpu.dma_semaphore, #tpu.memory_space<semaphore_mem>>) src(%arg7 : memref<64x1024xf32, #tpu.memory_space<vmem>>) dst(%dma_wait3A_428 : memref<64x1024xf32, #tpu.memory_space<hbm>>)
    %dma_wait3A_429 = arith.constant 6 : i32
    %dma_wait3A_430 = arith.constant 0 : i32
    %dma_wait3A_431 = tpu.memref_slice %arg4[%dma_wait3A_429, %select_n3A_9, %add3A_78, %dma_wait3A_430] : memref<8x2x2048x1024xf32, #tpu.memory_space<hbm>> -> memref<1x1x64x1024xf32, #tpu.memory_space<hbm>>
    %dma_wait3A_432 = tpu.memref_squeeze %dma_wait3A_431 : memref<1x1x64x1024xf32, #tpu.memory_space<hbm>> -> memref<64x1024xf32, #tpu.memory_space<hbm>>
    %dma_wait3A_433 = arith.constant 0 : i32
    %dma_wait3A_434 = tpu.memref_slice %arg4[%dma_wait3A_429, %select_n3A_9, %add3A_78, %dma_wait3A_433] : memref<8x2x2048x1024xf32, #tpu.memory_space<hbm>> -> memref<1x1x64x1024xf32, #tpu.memory_space<hbm>>
    %dma_wait3A_435 = tpu.memref_squeeze %dma_wait3A_434 : memref<1x1x64x1024xf32, #tpu.memory_space<hbm>> -> memref<64x1024xf32, #tpu.memory_space<hbm>>
    tpu.wait_dma2 semaphore(%arg11 : memref<!tpu.dma_semaphore, #tpu.memory_space<semaphore_mem>>) src(%arg7 : memref<64x1024xf32, #tpu.memory_space<vmem>>) dst(%dma_wait3A_435 : memref<64x1024xf32, #tpu.memory_space<hbm>>)
    %dma_wait3A_436 = arith.constant 7 : i32
    %dma_wait3A_437 = arith.constant 0 : i32
    %dma_wait3A_438 = tpu.memref_slice %arg4[%dma_wait3A_436, %select_n3A_9, %add3A_78, %dma_wait3A_437] : memref<8x2x2048x1024xf32, #tpu.memory_space<hbm>> -> memref<1x1x64x1024xf32, #tpu.memory_space<hbm>>
    %dma_wait3A_439 = tpu.memref_squeeze %dma_wait3A_438 : memref<1x1x64x1024xf32, #tpu.memory_space<hbm>> -> memref<64x1024xf32, #tpu.memory_space<hbm>>
    %dma_wait3A_440 = arith.constant 0 : i32
    %dma_wait3A_441 = tpu.memref_slice %arg4[%dma_wait3A_436, %select_n3A_9, %add3A_78, %dma_wait3A_440] : memref<8x2x2048x1024xf32, #tpu.memory_space<hbm>> -> memref<1x1x64x1024xf32, #tpu.memory_space<hbm>>
    %dma_wait3A_442 = tpu.memref_squeeze %dma_wait3A_441 : memref<1x1x64x1024xf32, #tpu.memory_space<hbm>> -> memref<64x1024xf32, #tpu.memory_space<hbm>>
    tpu.wait_dma2 semaphore(%arg11 : memref<!tpu.dma_semaphore, #tpu.memory_space<semaphore_mem>>) src(%arg7 : memref<64x1024xf32, #tpu.memory_space<vmem>>) dst(%dma_wait3A_442 : memref<64x1024xf32, #tpu.memory_space<hbm>>)
    %dma_wait3A_443 = arith.constant 0 : i32
    %dma_wait3A_444 = tpu.memref_slice %arg2[%select_n3A_75, %select_n3A_9, %add3A_82, %dma_wait3A_443] : memref<8x2x2048x1024xf32, #tpu.memory_space<hbm>> -> memref<1x1x56x1024xf32, #tpu.memory_space<hbm>>
    %dma_wait3A_445 = tpu.memref_squeeze %dma_wait3A_444 : memref<1x1x56x1024xf32, #tpu.memory_space<hbm>> -> memref<56x1024xf32, #tpu.memory_space<hbm>>
    %dma_wait3A_446 = arith.constant 0 : i32
    %dma_wait3A_447 = tpu.memref_slice %arg2[%select_n3A_75, %select_n3A_9, %add3A_82, %dma_wait3A_446] : memref<8x2x2048x1024xf32, #tpu.memory_space<hbm>> -> memref<1x1x56x1024xf32, #tpu.memory_space<hbm>>
    %dma_wait3A_448 = tpu.memref_squeeze %dma_wait3A_447 : memref<1x1x56x1024xf32, #tpu.memory_space<hbm>> -> memref<56x1024xf32, #tpu.memory_space<hbm>>
    tpu.wait_dma2 semaphore(%arg8 : memref<!tpu.dma_semaphore, #tpu.memory_space<semaphore_mem>>) src(%dma_wait3A_448 : memref<56x1024xf32, #tpu.memory_space<hbm>>) dst(%arg6 : memref<56x1024xf32, #tpu.memory_space<vmem>>)
    %dma_start3A_449 = arith.constant 0 : i32
    %dma_start3A_450 = arith.constant 0 : i32
    %dma_start3A_451 = tpu.memref_slice %arg4[%dma_start3A_449, %select_n3A_9, %add3A_82, %dma_start3A_450] : memref<8x2x2048x1024xf32, #tpu.memory_space<hbm>> -> memref<1x1x56x1024xf32, #tpu.memory_space<hbm>>
    %dma_start3A_452 = tpu.memref_squeeze %dma_start3A_451 : memref<1x1x56x1024xf32, #tpu.memory_space<hbm>> -> memref<56x1024xf32, #tpu.memory_space<hbm>>
    %dma_start3A_453 = arith.constant 0 : i32
    %dma_start3A_454 = tpu.memref_slice %arg4[%dma_start3A_449, %select_n3A_9, %add3A_82, %dma_start3A_453] : memref<8x2x2048x1024xf32, #tpu.memory_space<hbm>> -> memref<1x1x56x1024xf32, #tpu.memory_space<hbm>>
    %dma_start3A_455 = tpu.memref_squeeze %dma_start3A_454 : memref<1x1x56x1024xf32, #tpu.memory_space<hbm>> -> memref<56x1024xf32, #tpu.memory_space<hbm>>
    tpu.enqueue_dma source(%arg6 : memref<56x1024xf32, #tpu.memory_space<vmem>>) target(%dma_start3A_455 : memref<56x1024xf32, #tpu.memory_space<hbm>>) target_semaphore(%arg10 : memref<!tpu.dma_semaphore, #tpu.memory_space<semaphore_mem>>)
    %dma_start3A_456 = arith.constant 1 : i32
    %dma_start3A_457 = arith.constant 0 : i32
    %dma_start3A_458 = tpu.memref_slice %arg4[%dma_start3A_456, %select_n3A_9, %add3A_82, %dma_start3A_457] : memref<8x2x2048x1024xf32, #tpu.memory_space<hbm>> -> memref<1x1x56x1024xf32, #tpu.memory_space<hbm>>
    %dma_start3A_459 = tpu.memref_squeeze %dma_start3A_458 : memref<1x1x56x1024xf32, #tpu.memory_space<hbm>> -> memref<56x1024xf32, #tpu.memory_space<hbm>>
    %dma_start3A_460 = arith.constant 0 : i32
    %dma_start3A_461 = tpu.memref_slice %arg4[%dma_start3A_456, %select_n3A_9, %add3A_82, %dma_start3A_460] : memref<8x2x2048x1024xf32, #tpu.memory_space<hbm>> -> memref<1x1x56x1024xf32, #tpu.memory_space<hbm>>
    %dma_start3A_462 = tpu.memref_squeeze %dma_start3A_461 : memref<1x1x56x1024xf32, #tpu.memory_space<hbm>> -> memref<56x1024xf32, #tpu.memory_space<hbm>>
    tpu.enqueue_dma source(%arg6 : memref<56x1024xf32, #tpu.memory_space<vmem>>) target(%dma_start3A_462 : memref<56x1024xf32, #tpu.memory_space<hbm>>) target_semaphore(%arg10 : memref<!tpu.dma_semaphore, #tpu.memory_space<semaphore_mem>>)
    %dma_start3A_463 = arith.constant 2 : i32
    %dma_start3A_464 = arith.constant 0 : i32
    %dma_start3A_465 = tpu.memref_slice %arg4[%dma_start3A_463, %select_n3A_9, %add3A_82, %dma_start3A_464] : memref<8x2x2048x1024xf32, #tpu.memory_space<hbm>> -> memref<1x1x56x1024xf32, #tpu.memory_space<hbm>>
    %dma_start3A_466 = tpu.memref_squeeze %dma_start3A_465 : memref<1x1x56x1024xf32, #tpu.memory_space<hbm>> -> memref<56x1024xf32, #tpu.memory_space<hbm>>
    %dma_start3A_467 = arith.constant 0 : i32
    %dma_start3A_468 = tpu.memref_slice %arg4[%dma_start3A_463, %select_n3A_9, %add3A_82, %dma_start3A_467] : memref<8x2x2048x1024xf32, #tpu.memory_space<hbm>> -> memref<1x1x56x1024xf32, #tpu.memory_space<hbm>>
    %dma_start3A_469 = tpu.memref_squeeze %dma_start3A_468 : memref<1x1x56x1024xf32, #tpu.memory_space<hbm>> -> memref<56x1024xf32, #tpu.memory_space<hbm>>
    tpu.enqueue_dma source(%arg6 : memref<56x1024xf32, #tpu.memory_space<vmem>>) target(%dma_start3A_469 : memref<56x1024xf32, #tpu.memory_space<hbm>>) target_semaphore(%arg10 : memref<!tpu.dma_semaphore, #tpu.memory_space<semaphore_mem>>)
    %dma_start3A_470 = arith.constant 3 : i32
    %dma_start3A_471 = arith.constant 0 : i32
    %dma_start3A_472 = tpu.memref_slice %arg4[%dma_start3A_470, %select_n3A_9, %add3A_82, %dma_start3A_471] : memref<8x2x2048x1024xf32, #tpu.memory_space<hbm>> -> memref<1x1x56x1024xf32, #tpu.memory_space<hbm>>
    %dma_start3A_473 = tpu.memref_squeeze %dma_start3A_472 : memref<1x1x56x1024xf32, #tpu.memory_space<hbm>> -> memref<56x1024xf32, #tpu.memory_space<hbm>>
    %dma_start3A_474 = arith.constant 0 : i32
    %dma_start3A_475 = tpu.memref_slice %arg4[%dma_start3A_470, %select_n3A_9, %add3A_82, %dma_start3A_474] : memref<8x2x2048x1024xf32, #tpu.memory_space<hbm>> -> memref<1x1x56x1024xf32, #tpu.memory_space<hbm>>
    %dma_start3A_476 = tpu.memref_squeeze %dma_start3A_475 : memref<1x1x56x1024xf32, #tpu.memory_space<hbm>> -> memref<56x1024xf32, #tpu.memory_space<hbm>>
    tpu.enqueue_dma source(%arg6 : memref<56x1024xf32, #tpu.memory_space<vmem>>) target(%dma_start3A_476 : memref<56x1024xf32, #tpu.memory_space<hbm>>) target_semaphore(%arg10 : memref<!tpu.dma_semaphore, #tpu.memory_space<semaphore_mem>>)
    %dma_start3A_477 = arith.constant 4 : i32
    %dma_start3A_478 = arith.constant 0 : i32
    %dma_start3A_479 = tpu.memref_slice %arg4[%dma_start3A_477, %select_n3A_9, %add3A_82, %dma_start3A_478] : memref<8x2x2048x1024xf32, #tpu.memory_space<hbm>> -> memref<1x1x56x1024xf32, #tpu.memory_space<hbm>>
    %dma_start3A_480 = tpu.memref_squeeze %dma_start3A_479 : memref<1x1x56x1024xf32, #tpu.memory_space<hbm>> -> memref<56x1024xf32, #tpu.memory_space<hbm>>
    %dma_start3A_481 = arith.constant 0 : i32
    %dma_start3A_482 = tpu.memref_slice %arg4[%dma_start3A_477, %select_n3A_9, %add3A_82, %dma_start3A_481] : memref<8x2x2048x1024xf32, #tpu.memory_space<hbm>> -> memref<1x1x56x1024xf32, #tpu.memory_space<hbm>>
    %dma_start3A_483 = tpu.memref_squeeze %dma_start3A_482 : memref<1x1x56x1024xf32, #tpu.memory_space<hbm>> -> memref<56x1024xf32, #tpu.memory_space<hbm>>
    tpu.enqueue_dma source(%arg6 : memref<56x1024xf32, #tpu.memory_space<vmem>>) target(%dma_start3A_483 : memref<56x1024xf32, #tpu.memory_space<hbm>>) target_semaphore(%arg10 : memref<!tpu.dma_semaphore, #tpu.memory_space<semaphore_mem>>)
    %dma_start3A_484 = arith.constant 5 : i32
    %dma_start3A_485 = arith.constant 0 : i32
    %dma_start3A_486 = tpu.memref_slice %arg4[%dma_start3A_484, %select_n3A_9, %add3A_82, %dma_start3A_485] : memref<8x2x2048x1024xf32, #tpu.memory_space<hbm>> -> memref<1x1x56x1024xf32, #tpu.memory_space<hbm>>
    %dma_start3A_487 = tpu.memref_squeeze %dma_start3A_486 : memref<1x1x56x1024xf32, #tpu.memory_space<hbm>> -> memref<56x1024xf32, #tpu.memory_space<hbm>>
    %dma_start3A_488 = arith.constant 0 : i32
    %dma_start3A_489 = tpu.memref_slice %arg4[%dma_start3A_484, %select_n3A_9, %add3A_82, %dma_start3A_488] : memref<8x2x2048x1024xf32, #tpu.memory_space<hbm>> -> memref<1x1x56x1024xf32, #tpu.memory_space<hbm>>
    %dma_start3A_490 = tpu.memref_squeeze %dma_start3A_489 : memref<1x1x56x1024xf32, #tpu.memory_space<hbm>> -> memref<56x1024xf32, #tpu.memory_space<hbm>>
    tpu.enqueue_dma source(%arg6 : memref<56x1024xf32, #tpu.memory_space<vmem>>) target(%dma_start3A_490 : memref<56x1024xf32, #tpu.memory_space<hbm>>) target_semaphore(%arg10 : memref<!tpu.dma_semaphore, #tpu.memory_space<semaphore_mem>>)
    %dma_start3A_491 = arith.constant 6 : i32
    %dma_start3A_492 = arith.constant 0 : i32
    %dma_start3A_493 = tpu.memref_slice %arg4[%dma_start3A_491, %select_n3A_9, %add3A_82, %dma_start3A_492] : memref<8x2x2048x1024xf32, #tpu.memory_space<hbm>> -> memref<1x1x56x1024xf32, #tpu.memory_space<hbm>>
    %dma_start3A_494 = tpu.memref_squeeze %dma_start3A_493 : memref<1x1x56x1024xf32, #tpu.memory_space<hbm>> -> memref<56x1024xf32, #tpu.memory_space<hbm>>
    %dma_start3A_495 = arith.constant 0 : i32
    %dma_start3A_496 = tpu.memref_slice %arg4[%dma_start3A_491, %select_n3A_9, %add3A_82, %dma_start3A_495] : memref<8x2x2048x1024xf32, #tpu.memory_space<hbm>> -> memref<1x1x56x1024xf32, #tpu.memory_space<hbm>>
    %dma_start3A_497 = tpu.memref_squeeze %dma_start3A_496 : memref<1x1x56x1024xf32, #tpu.memory_space<hbm>> -> memref<56x1024xf32, #tpu.memory_space<hbm>>
    tpu.enqueue_dma source(%arg6 : memref<56x1024xf32, #tpu.memory_space<vmem>>) target(%dma_start3A_497 : memref<56x1024xf32, #tpu.memory_space<hbm>>) target_semaphore(%arg10 : memref<!tpu.dma_semaphore, #tpu.memory_space<semaphore_mem>>)
    %dma_start3A_498 = arith.constant 7 : i32
    %dma_start3A_499 = arith.constant 0 : i32
    %dma_start3A_500 = tpu.memref_slice %arg4[%dma_start3A_498, %select_n3A_9, %add3A_82, %dma_start3A_499] : memref<8x2x2048x1024xf32, #tpu.memory_space<hbm>> -> memref<1x1x56x1024xf32, #tpu.memory_space<hbm>>
    %dma_start3A_501 = tpu.memref_squeeze %dma_start3A_500 : memref<1x1x56x1024xf32, #tpu.memory_space<hbm>> -> memref<56x1024xf32, #tpu.memory_space<hbm>>
    %dma_start3A_502 = arith.constant 0 : i32
    %dma_start3A_503 = tpu.memref_slice %arg4[%dma_start3A_498, %select_n3A_9, %add3A_82, %dma_start3A_502] : memref<8x2x2048x1024xf32, #tpu.memory_space<hbm>> -> memref<1x1x56x1024xf32, #tpu.memory_space<hbm>>
    %dma_start3A_504 = tpu.memref_squeeze %dma_start3A_503 : memref<1x1x56x1024xf32, #tpu.memory_space<hbm>> -> memref<56x1024xf32, #tpu.memory_space<hbm>>
    tpu.enqueue_dma source(%arg6 : memref<56x1024xf32, #tpu.memory_space<vmem>>) target(%dma_start3A_504 : memref<56x1024xf32, #tpu.memory_space<hbm>>) target_semaphore(%arg10 : memref<!tpu.dma_semaphore, #tpu.memory_space<semaphore_mem>>)
    %dma_wait3A_505 = arith.constant 0 : i32
    %dma_wait3A_506 = arith.constant 0 : i32
    %dma_wait3A_507 = tpu.memref_slice %arg4[%dma_wait3A_505, %select_n3A_9, %add3A_82, %dma_wait3A_506] : memref<8x2x2048x1024xf32, #tpu.memory_space<hbm>> -> memref<1x1x56x1024xf32, #tpu.memory_space<hbm>>
    %dma_wait3A_508 = tpu.memref_squeeze %dma_wait3A_507 : memref<1x1x56x1024xf32, #tpu.memory_space<hbm>> -> memref<56x1024xf32, #tpu.memory_space<hbm>>
    %dma_wait3A_509 = arith.constant 0 : i32
    %dma_wait3A_510 = tpu.memref_slice %arg4[%dma_wait3A_505, %select_n3A_9, %add3A_82, %dma_wait3A_509] : memref<8x2x2048x1024xf32, #tpu.memory_space<hbm>> -> memref<1x1x56x1024xf32, #tpu.memory_space<hbm>>
    %dma_wait3A_511 = tpu.memref_squeeze %dma_wait3A_510 : memref<1x1x56x1024xf32, #tpu.memory_space<hbm>> -> memref<56x1024xf32, #tpu.memory_space<hbm>>
    tpu.wait_dma2 semaphore(%arg10 : memref<!tpu.dma_semaphore, #tpu.memory_space<semaphore_mem>>) src(%arg6 : memref<56x1024xf32, #tpu.memory_space<vmem>>) dst(%dma_wait3A_511 : memref<56x1024xf32, #tpu.memory_space<hbm>>)
    %dma_wait3A_512 = arith.constant 1 : i32
    %dma_wait3A_513 = arith.constant 0 : i32
    %dma_wait3A_514 = tpu.memref_slice %arg4[%dma_wait3A_512, %select_n3A_9, %add3A_82, %dma_wait3A_513] : memref<8x2x2048x1024xf32, #tpu.memory_space<hbm>> -> memref<1x1x56x1024xf32, #tpu.memory_space<hbm>>
    %dma_wait3A_515 = tpu.memref_squeeze %dma_wait3A_514 : memref<1x1x56x1024xf32, #tpu.memory_space<hbm>> -> memref<56x1024xf32, #tpu.memory_space<hbm>>
    %dma_wait3A_516 = arith.constant 0 : i32
    %dma_wait3A_517 = tpu.memref_slice %arg4[%dma_wait3A_512, %select_n3A_9, %add3A_82, %dma_wait3A_516] : memref<8x2x2048x1024xf32, #tpu.memory_space<hbm>> -> memref<1x1x56x1024xf32, #tpu.memory_space<hbm>>
    %dma_wait3A_518 = tpu.memref_squeeze %dma_wait3A_517 : memref<1x1x56x1024xf32, #tpu.memory_space<hbm>> -> memref<56x1024xf32, #tpu.memory_space<hbm>>
    tpu.wait_dma2 semaphore(%arg10 : memref<!tpu.dma_semaphore, #tpu.memory_space<semaphore_mem>>) src(%arg6 : memref<56x1024xf32, #tpu.memory_space<vmem>>) dst(%dma_wait3A_518 : memref<56x1024xf32, #tpu.memory_space<hbm>>)
    %dma_wait3A_519 = arith.constant 2 : i32
    %dma_wait3A_520 = arith.constant 0 : i32
    %dma_wait3A_521 = tpu.memref_slice %arg4[%dma_wait3A_519, %select_n3A_9, %add3A_82, %dma_wait3A_520] : memref<8x2x2048x1024xf32, #tpu.memory_space<hbm>> -> memref<1x1x56x1024xf32, #tpu.memory_space<hbm>>
    %dma_wait3A_522 = tpu.memref_squeeze %dma_wait3A_521 : memref<1x1x56x1024xf32, #tpu.memory_space<hbm>> -> memref<56x1024xf32, #tpu.memory_space<hbm>>
    %dma_wait3A_523 = arith.constant 0 : i32
    %dma_wait3A_524 = tpu.memref_slice %arg4[%dma_wait3A_519, %select_n3A_9, %add3A_82, %dma_wait3A_523] : memref<8x2x2048x1024xf32, #tpu.memory_space<hbm>> -> memref<1x1x56x1024xf32, #tpu.memory_space<hbm>>
    %dma_wait3A_525 = tpu.memref_squeeze %dma_wait3A_524 : memref<1x1x56x1024xf32, #tpu.memory_space<hbm>> -> memref<56x1024xf32, #tpu.memory_space<hbm>>
    tpu.wait_dma2 semaphore(%arg10 : memref<!tpu.dma_semaphore, #tpu.memory_space<semaphore_mem>>) src(%arg6 : memref<56x1024xf32, #tpu.memory_space<vmem>>) dst(%dma_wait3A_525 : memref<56x1024xf32, #tpu.memory_space<hbm>>)
    %dma_wait3A_526 = arith.constant 3 : i32
    %dma_wait3A_527 = arith.constant 0 : i32
    %dma_wait3A_528 = tpu.memref_slice %arg4[%dma_wait3A_526, %select_n3A_9, %add3A_82, %dma_wait3A_527] : memref<8x2x2048x1024xf32, #tpu.memory_space<hbm>> -> memref<1x1x56x1024xf32, #tpu.memory_space<hbm>>
    %dma_wait3A_529 = tpu.memref_squeeze %dma_wait3A_528 : memref<1x1x56x1024xf32, #tpu.memory_space<hbm>> -> memref<56x1024xf32, #tpu.memory_space<hbm>>
    %dma_wait3A_530 = arith.constant 0 : i32
    %dma_wait3A_531 = tpu.memref_slice %arg4[%dma_wait3A_526, %select_n3A_9, %add3A_82, %dma_wait3A_530] : memref<8x2x2048x1024xf32, #tpu.memory_space<hbm>> -> memref<1x1x56x1024xf32, #tpu.memory_space<hbm>>
    %dma_wait3A_532 = tpu.memref_squeeze %dma_wait3A_531 : memref<1x1x56x1024xf32, #tpu.memory_space<hbm>> -> memref<56x1024xf32, #tpu.memory_space<hbm>>
    tpu.wait_dma2 semaphore(%arg10 : memref<!tpu.dma_semaphore, #tpu.memory_space<semaphore_mem>>) src(%arg6 : memref<56x1024xf32, #tpu.memory_space<vmem>>) dst(%dma_wait3A_532 : memref<56x1024xf32, #tpu.memory_space<hbm>>)
    %dma_wait3A_533 = arith.constant 4 : i32
    %dma_wait3A_534 = arith.constant 0 : i32
    %dma_wait3A_535 = tpu.memref_slice %arg4[%dma_wait3A_533, %select_n3A_9, %add3A_82, %dma_wait3A_534] : memref<8x2x2048x1024xf32, #tpu.memory_space<hbm>> -> memref<1x1x56x1024xf32, #tpu.memory_space<hbm>>
    %dma_wait3A_536 = tpu.memref_squeeze %dma_wait3A_535 : memref<1x1x56x1024xf32, #tpu.memory_space<hbm>> -> memref<56x1024xf32, #tpu.memory_space<hbm>>
    %dma_wait3A_537 = arith.constant 0 : i32
    %dma_wait3A_538 = tpu.memref_slice %arg4[%dma_wait3A_533, %select_n3A_9, %add3A_82, %dma_wait3A_537] : memref<8x2x2048x1024xf32, #tpu.memory_space<hbm>> -> memref<1x1x56x1024xf32, #tpu.memory_space<hbm>>
    %dma_wait3A_539 = tpu.memref_squeeze %dma_wait3A_538 : memref<1x1x56x1024xf32, #tpu.memory_space<hbm>> -> memref<56x1024xf32, #tpu.memory_space<hbm>>
    tpu.wait_dma2 semaphore(%arg10 : memref<!tpu.dma_semaphore, #tpu.memory_space<semaphore_mem>>) src(%arg6 : memref<56x1024xf32, #tpu.memory_space<vmem>>) dst(%dma_wait3A_539 : memref<56x1024xf32, #tpu.memory_space<hbm>>)
    %dma_wait3A_540 = arith.constant 5 : i32
    %dma_wait3A_541 = arith.constant 0 : i32
    %dma_wait3A_542 = tpu.memref_slice %arg4[%dma_wait3A_540, %select_n3A_9, %add3A_82, %dma_wait3A_541] : memref<8x2x2048x1024xf32, #tpu.memory_space<hbm>> -> memref<1x1x56x1024xf32, #tpu.memory_space<hbm>>
    %dma_wait3A_543 = tpu.memref_squeeze %dma_wait3A_542 : memref<1x1x56x1024xf32, #tpu.memory_space<hbm>> -> memref<56x1024xf32, #tpu.memory_space<hbm>>
    %dma_wait3A_544 = arith.constant 0 : i32
    %dma_wait3A_545 = tpu.memref_slice %arg4[%dma_wait3A_540, %select_n3A_9, %add3A_82, %dma_wait3A_544] : memref<8x2x2048x1024xf32, #tpu.memory_space<hbm>> -> memref<1x1x56x1024xf32, #tpu.memory_space<hbm>>
    %dma_wait3A_546 = tpu.memref_squeeze %dma_wait3A_545 : memref<1x1x56x1024xf32, #tpu.memory_space<hbm>> -> memref<56x1024xf32, #tpu.memory_space<hbm>>
    tpu.wait_dma2 semaphore(%arg10 : memref<!tpu.dma_semaphore, #tpu.memory_space<semaphore_mem>>) src(%arg6 : memref<56x1024xf32, #tpu.memory_space<vmem>>) dst(%dma_wait3A_546 : memref<56x1024xf32, #tpu.memory_space<hbm>>)
    %dma_wait3A_547 = arith.constant 6 : i32
    %dma_wait3A_548 = arith.constant 0 : i32
    %dma_wait3A_549 = tpu.memref_slice %arg4[%dma_wait3A_547, %select_n3A_9, %add3A_82, %dma_wait3A_548] : memref<8x2x2048x1024xf32, #tpu.memory_space<hbm>> -> memref<1x1x56x1024xf32, #tpu.memory_space<hbm>>
    %dma_wait3A_550 = tpu.memref_squeeze %dma_wait3A_549 : memref<1x1x56x1024xf32, #tpu.memory_space<hbm>> -> memref<56x1024xf32, #tpu.memory_space<hbm>>
    %dma_wait3A_551 = arith.constant 0 : i32
    %dma_wait3A_552 = tpu.memref_slice %arg4[%dma_wait3A_547, %select_n3A_9, %add3A_82, %dma_wait3A_551] : memref<8x2x2048x1024xf32, #tpu.memory_space<hbm>> -> memref<1x1x56x1024xf32, #tpu.memory_space<hbm>>
    %dma_wait3A_553 = tpu.memref_squeeze %dma_wait3A_552 : memref<1x1x56x1024xf32, #tpu.memory_space<hbm>> -> memref<56x1024xf32, #tpu.memory_space<hbm>>
    tpu.wait_dma2 semaphore(%arg10 : memref<!tpu.dma_semaphore, #tpu.memory_space<semaphore_mem>>) src(%arg6 : memref<56x1024xf32, #tpu.memory_space<vmem>>) dst(%dma_wait3A_553 : memref<56x1024xf32, #tpu.memory_space<hbm>>)
    %dma_wait3A_554 = arith.constant 7 : i32
    %dma_wait3A_555 = arith.constant 0 : i32
    %dma_wait3A_556 = tpu.memref_slice %arg4[%dma_wait3A_554, %select_n3A_9, %add3A_82, %dma_wait3A_555] : memref<8x2x2048x1024xf32, #tpu.memory_space<hbm>> -> memref<1x1x56x1024xf32, #tpu.memory_space<hbm>>
    %dma_wait3A_557 = tpu.memref_squeeze %dma_wait3A_556 : memref<1x1x56x1024xf32, #tpu.memory_space<hbm>> -> memref<56x1024xf32, #tpu.memory_space<hbm>>
    %dma_wait3A_558 = arith.constant 0 : i32
    %dma_wait3A_559 = tpu.memref_slice %arg4[%dma_wait3A_554, %select_n3A_9, %add3A_82, %dma_wait3A_558] : memref<8x2x2048x1024xf32, #tpu.memory_space<hbm>> -> memref<1x1x56x1024xf32, #tpu.memory_space<hbm>>
    %dma_wait3A_560 = tpu.memref_squeeze %dma_wait3A_559 : memref<1x1x56x1024xf32, #tpu.memory_space<hbm>> -> memref<56x1024xf32, #tpu.memory_space<hbm>>
    tpu.wait_dma2 semaphore(%arg10 : memref<!tpu.dma_semaphore, #tpu.memory_space<semaphore_mem>>) src(%arg6 : memref<56x1024xf32, #tpu.memory_space<vmem>>) dst(%dma_wait3A_560 : memref<56x1024xf32, #tpu.memory_space<hbm>>)
    return
  }
}

</mosaic_0001>

<sc_bundles>
// kernel: kernel.3.cloned.1.call-start
scs
__scs_entry_jumppad:
0x0: {  	(pc) =	sbr.rel $0x88, $3  }
0x1: {  	(tag) =	ssettag $0x0;
	lr =	simm.s32 $0x1  }
0x2: {  	[smem:$0x3F9F] =	sst lr;
	_ =	strace $0xD0000000  }
0x3: {  	_ = 	snop  }
0x4: {  	_ = 	snop  }
0x5: {  	_ = 	snop  }
0x6: {  	_ = 	snop  }
0x7: {  	_ = 	snop  }
__scs_overlays_trampoline_lowered:
0x8: {  	[smem:$0x3FAE] =	sst s0  }
0x9: {  	[smem:$0x3FAF] =	sst s1  }
0xa: {  	[smem:$0x3FB0] =	sst s2  }
0xb: {  	[smem:$0x3FB1] =	sst s3  }
0xc: {  	[smem:$0x3FB2] =	sst s4  }
0xd: {  	[smem:$0x3FB3] =	sst s5  }
0xe: {  	[smem:$0x3FB4] =	sst s6  }
0xf: {  	[smem:$0x3FB5] =	sst s7  }
0x10: {  	[smem:$0x3FB6] =	sst s8  }
0x11: {  	[smem:$0x3FB7] =	sst s9;
	s0 =	simm.s32 @!p0 $0x0  }
0x12: {  	s1 =	sld [smem:$0x3F9D];
	s0 =	simm.s32 @p0 $0x1  }
0x13: {  	[smem:$0x3FB8] =	sst s0;
	s0 =	simm.s32 @!p1 $0x0  }
0x14: {  	s2 =	sld [smem:$0x3F9C];
	s0 =	simm.s32 @p1 $0x1  }
0x15: {  	[smem:$0x3FB9] =	sst s0;
	s0 =	simm.s32 @!p2 $0x0  }
0x16: {  	s3 =	sld [smem:$0x3FDB];
	s0 =	simm.s32 @p2 $0x1  }
0x17: {  	s4 =	simm.s32 $0x1BF5;
	[smem:$0x3FBB] =	sst s0  }
0x18: {  	s0 =	sld [smem:$0x3F9E];
	_ =	swait.ge [sflag:s4], $0x0  }
0x19: {  	s7 =	sld [smem:$0x3F9F]  }
0x1a: {  	s8 =	sadd.s32 $0xFFFFE003, lr  }
0x1b: {  	s9 =	sadd.s32 $0xFFFFFEF7, lr;
	s5 =	simm.s32 $0xFFFFFFFF;
	p2 =	slt.u32 s8, $0xFFFFF086  }
0x1c: {  	p1 =	slt.u32 s9, $0xF7A;
	s5 =	simm.s32 @!p2 $0x0  }
0x1d: {  	s5 =	simm.s32 @p1 $0x1;
	p0 =	seq.s32 s7, s2  }
0x1e: {  	s7 =	smul.u32 @!p0 $0xF7A, s2;
	p2 =	seq.s32 @!p0 s5, $0x0  }
0x1f: {  	s9 =	smul.u32 $0xF7A, s1;
	s8 =	simm.s32 @!p0 $0x1BF5;
	p2 =	por !p2, p0  }
0x20: {  	[sflag:s8] =	ssyncset.s32 @!p0 $0xFFFFF086;
	s6 =	sadd.s32 @!p0 s3, s7;
	s7 =	simm.s32 @!p0 $0x108  }
0x21: {  	s3 =	sadd.s32 s3, s9;
	s6 =	sadd.s32 @!p0 $0x88, s6;
	s7 =	simm.s32 @p2 $0x1082  }
0x22: {  	[simem:s7], [sflag:s8] =	dma.local @!p0 [hbm:s6], $0xF7A  }
0x23: {  	s9 =	sor.u32 $0xD0000000, s2;
	s6 =	simm.s32 $0x108;
	_ =	swait.ge @!p0 [sflag:s8], $0x0  }
0x24: {  	s3 =	sadd.s32 $0x88, s3;
	s6 =	simm.s32 @!p1 $0x1082;
	[sflag:s4] =	ssyncset.s32 $0xFFFFF086  }
0x25: {  	[simem:s6], [sflag:s4] =	dma.local [hbm:s3], $0xF7A  }
0x26: {  	[smem:$0x3F9F] =	sst s1;
	(tag) =	ssettag s2;
	_ =	strace s9  }
0x27: {  	s1 =	sld [smem:$0x3FAF]  }
0x28: {  	s2 =	sld [smem:$0x3FB0]  }
0x29: {  	s4 =	sld [smem:$0x3FB2]  }
0x2a: {  	p0 =	seq.s32 s5, $0x0;
	s5 =	sld [smem:$0x3FB3]  }
0x2b: {  	s6 =	sld [smem:$0x3FB4]  }
0x2c: {  	s7 =	sld [smem:$0x3FB5]  }
0x2d: {  	s3 =	simm.s32 $0x108;
	s8 =	sld [smem:$0x3FB6]  }
0x2e: {  	s3 =	simm.s32 @!p0 $0x1082;
	s9 =	sld [smem:$0x3FB7]  }
0x2f: {  	lr =	sadd.s32 s0, s3;
	s0 =	sld [smem:$0x3FAE]  }
0x30: {  	s3 =	sld [smem:$0x3FB1]  }
0x31: {  	[smem:$0x3FBA] =	sst s10  }
0x32: {  	s10 =	sld [smem:$0x3FB8];
	_ =	sdelay $0x3  }
0x33: {  	p0 =	seq.s32 s10, $0x1;
	s10 =	sld [smem:$0x3FBA];
	_ =	sdelay $0x3  }
0x34: {  	[smem:$0x3FBA] =	sst s10  }
0x35: {  	s10 =	sld [smem:$0x3FB9];
	_ =	sdelay $0x3  }
0x36: {  	p1 =	seq.s32 s10, $0x1;
	s10 =	sld [smem:$0x3FBA];
	_ =	sdelay $0x3  }
0x37: {  	[smem:$0x3FBA] =	sst s10  }
0x38: {  	s10 =	sld [smem:$0x3FBB]  }
0x39: {  	_ = 	snop;
	(pc) =	sbr.ind lr, $3  }
0x3a: {  	_ = 	snop  }
0x3b: {  	_ = 	snop  }
0x3c: {  	p2 =	seq.s32 s10, $0x1;
	s10 =	sld [smem:$0x3FBA]  }
0x3d: {  	_ =	shalt  }
0x3e: {  	_ =	shalt  }
0x3f: {  	_ =	shalt  }
0x40: {  	_ =	shalt  }
0x41: {  	_ =	shalt  }
0x42: {  	_ =	shalt  }
0x43: {  	_ =	shalt  }
0x44: {  	_ =	shalt  }
0x45: {  	_ =	shalt  }
0x46: {  	_ =	shalt  }
0x47: {  	_ =	shalt  }
0x48: {  	_ =	shalt  }
0x49: {  	_ =	shalt  }
0x4a: {  	_ =	shalt  }
0x4b: {  	_ =	shalt  }
0x4c: {  	_ =	shalt  }
0x4d: {  	_ =	shalt  }
0x4e: {  	_ =	shalt  }
0x4f: {  	_ =	shalt  }
0x50: {  	_ =	shalt  }
0x51: {  	_ =	shalt  }
0x52: {  	_ =	shalt  }
0x53: {  	_ =	shalt  }
0x54: {  	_ =	shalt  }
0x55: {  	_ =	shalt  }
0x56: {  	_ =	shalt  }
0x57: {  	_ =	shalt  }
0x58: {  	_ =	shalt  }
0x59: {  	_ =	shalt  }
0x5a: {  	_ =	shalt  }
0x5b: {  	_ =	shalt  }
0x5c: {  	_ =	shalt  }
0x5d: {  	_ =	shalt  }
0x5e: {  	_ =	shalt  }
0x5f: {  	_ =	shalt  }
0x60: {  	_ =	shalt  }
0x61: {  	_ =	shalt  }
0x62: {  	_ =	shalt  }
0x63: {  	_ =	shalt  }
0x64: {  	_ =	shalt  }
0x65: {  	_ =	shalt  }
0x66: {  	_ =	shalt  }
0x67: {  	_ =	shalt  }
0x68: {  	_ =	shalt  }
0x69: {  	_ =	shalt  }
0x6a: {  	_ =	shalt  }
0x6b: {  	_ =	shalt  }
0x6c: {  	_ =	shalt  }
0x6d: {  	_ =	shalt  }
0x6e: {  	_ =	shalt  }
0x6f: {  	_ =	shalt  }
0x70: {  	_ =	shalt  }
0x71: {  	_ =	shalt  }
0x72: {  	_ =	shalt  }
0x73: {  	_ =	shalt  }
0x74: {  	_ =	shalt  }
0x75: {  	_ =	shalt  }
0x76: {  	_ =	shalt  }
0x77: {  	_ =	shalt  }
0x78: {  	_ =	shalt  }
0x79: {  	_ =	shalt  }
0x7a: {  	_ =	shalt  }
0x7b: {  	_ =	shalt  }
0x7c: {  	_ =	shalt  }
0x7d: {  	_ =	shalt  }
0x7e: {  	_ =	shalt  }
0x7f: {  	_ =	shalt  }
0x80: {  	_ =	shalt  }
0x81: {  	_ =	shalt  }
0x82: {  	_ =	shalt  }
0x83: {  	_ =	shalt  }
0x84: {  	_ =	shalt  }
0x85: {  	_ =	shalt  }
0x86: {  	_ =	shalt  }
0x87: {  	_ =	shalt  }
.Lfunc_end0:
.L_simem_size_0:
called_computation_lowered:
.L_overlay_start_0:
0x88: {  	s2 =	sld [smem:$0x3FD9]  }
0x89: {  	s3 =	sld [smem:$0x3FFE];
	_ =	sdelay $0x1  }
0x8a: {  	s1 =	srdreg.scid  }
0x8b: {  	s0 =	sand.u32 $0x1, s1  }
0x8c: {  	s18 =	sshll.u32 s0, $0xA;
	s2 =	sadd.s32 s3, s2  }
0x8d: {  	s2 =	sadd.s32 s2, s18  }
0x8e: {  	[smem:$0x3FC6] =	sst s2  }
0x8f: {  	_ = 	snop  }
0x90: {  	s2 =	sld [smem:$0x3FC9]  }
0x91: {  	s19 =	sld [smem:$0x3FC8]  }
0x92: {  	s4 =	sld [smem:$0x3FD0];
	(tm) =	ssettm $0x1  }
0x93: {  	s5 =	sld [smem:$0x3FFB];
	_ =	sdelay $0x3  }
0x94: {  	_ =	strace s5  }
0x95: {  	s5 =	sld [smem:$0x3FFC];
	_ =	sdelay $0x3  }
0x96: {  	_ =	strace s5  }
0x97: {  	s5 =	sld [smem:$0x3FFD];
	_ =	sdelay $0x3  }
0x98: {  	_ =	strace s5  }
0x99: {  	_ =	strace $0x8FFFFFFF  }
0x9a: {  	s20 =	sld [smem:$0x3FDB];
	_ =	sdelay $0x1  }
0x9b: {  	s6 =	simm.s32 $_scs_section_size  }
0x9c: {  	s7 =	simm.s32 $_size__tile_overlayer_lowered;
	s8 =	simm.s32 $_tile_overlayer_lowered  }
0x9d: {  	s23 =	simm.s32 $0x1BFF;
	s22 =	sshll.u32 s8, $0x1;
	s5 =	sadd.s32 s6, s20  }
0x9e: {  	s9 =	simm.s32 $0x0;
	s21 =	sshll.u32 s7, $0x1;
	s7 =	sadd.s32 s22, s5  }
0x9f: {  	[timem:s9], [sflag:s23] =	dma.local [hbm:s7], s21  }
0xa0: {  	_ =	swait.ge [sflag:s23], s21  }
0xa1: {  	s6 =	ssub.s32 $0x0, s21;
	[sflag:s23] =	ssyncset.done $0x0  }
0xa2: {  	[sflag:s23] =	ssyncadd.s32 s6;
	_ =	sdelay $0x1  }
0xa3: {  	s24 =	simm.s32 $0x1B8B  }
0xa4: {  	_ =	swait.ge [sflag:s24], $0x1  }
0xa5: {  	[sflag:s24] =	ssyncset.done $0x0  }
0xa6: {  	s25 =	simm.s32 $0x1B8E;
	[sflag:s24] =	ssyncadd.s32 $0xFFFFFFFF  }
0xa7: {  	s26 =	simm.s32 $execute0_lowered;
	[smem:$0x3FD2] =	sst s25  }
0xa8: {  	s6 =	sshll.u32 s26, $0x1;
	_ =	strace $0x80000046;
	[dreg:$0x1] =	wrdreg $0xFFFFFFFF  }
0xa9: {  	s28 =	simm.s32 $_size_execute0_lowered;
	s5 =	sadd.s32 s5, s6;
	[dreg:$0x0] =	wrdreg $0x0  }
0xaa: {  	s6 =	sshll.u32 s28, $0x1;
	[dreg:$0x2] =	wrdreg s5  }
0xab: {  	[dreg:$0x3] =	wrdreg s6  }
0xac: {  	[dreg:$0x4] =	wrdreg $0xC0  }
0xad: {  	_ =	task [dreg:s9], $0x5FFFF  }
0xae: {  	[dreg:$0x1] =	wrdreg $0xFFFFFFFF  }
0xaf: {  	[dreg:$0x0] =	wrdreg $0x60  }
0xb0: {  	[dreg:$0x2] =	wrdreg s2  }
0xb1: {  	[dreg:$0x3] =	wrdreg s19  }
0xb2: {  	[dreg:$0x4] =	wrdreg s4  }
0xb3: {  	[dreg:$0x5] =	wrdreg $0x9  }
0xb4: {  	_ =	task.clear_ibuf [dreg:s9], $0x6FFFF;
	_ =	strace $0x90000046  }
0xb5: {  	s29 =	simm.s32 $0x9;
	_ =	strace $0x80000048  }
0xb6: {  	_ =	swait.ge [sflag:s29], $0x1  }
0xb7: {  	[sflag:s29] =	ssyncadd.s32 $0xFFFFFFFF  }
0xb8: {  	_ =	strace $0x90000048  }
0xb9: {  	_ =	sfence  }
0xba: {  	s30 =	sld [smem:$0x0];
	_ =	sdelay $0x2  }
0xbb: {  	s31 =	sshll.u32 s1, $0xD;
	s1 =	sshrl.u32 s1, $0x2  }
0xbc: {  	s3 =	sand.u32 $0x4000, s31;
	s1 =	sadd.s32 s1, s30  }
0xbd: {  	s0 =	sor.u32 s3, s0;
	s1 =	sshll.u32 s1, $0x11  }
0xbe: {  	s0 =	sor.u32 s1, s0  }
0xbf: {  	s0 =	sadd.s32 $0x8F2B, s0  }
0xc0: {  	[sflag:s0] =	ssyncadd.remote.s32 $0x1  }
0xc1: {  	_ =	sfence.sel $0xFFFF  }
0xc2: {  	[dreg:$0x0] =	wrdreg $0xFFFFFFFF;
	(pc) =	sbr.abs _section_cstart, $3  }
0xc3: {  	[dreg:$0x1] =	wrdreg $0xFFFFFFFF  }
0xc4: {  	_ =	task.clear_ibuf [dreg:s9], $0x2FFFF;
	_ =	strace $0x9FFFFFFF  }
0xc5: {  	(tm) =	ssettm $0x7FFFFFFF  }
tec
execute0_lowered:
.L_overlay_start_1:
0x0: {  	(tag) =	ssettag $0x1  }
0x1: {  	s1 =	srdreg.scid  }
0x2: {  	s0 =	stileid.u32;
	s5 =	sand.u32 $0x1, s1  }
0x3: {  	s1 =	sor.u32 s5, s0  }
0x4: {  	s3 =	rddreg [dreg:$0x0];
	p0 =	seq.s32 s5, $0x1;
	p1 =	seq.s32 s1, $0x0  }
0x5: {  	s22 =	rddreg [dreg:$0x1];
	p0 =	por !p1, !p0  }
0x6: {  	s6 =	simm.s32 $0x1;
	s4 =	rddreg [dreg:$0x2];
	p0 =	por !p0, !p0  }
0x7: {  	s2 =	simm.s32 $0x0;
	[dreg:$0x4] =	wrdreg s22;
	s6 =	simm.s32 @!p0 $0x0  }
0x8: {  	[smem:$0x7FF] =	sst s2;
	s6 =	ssub.s32 s0, s6  }
0x9: {  	s11 =	sshll.u32 s5, $0x15;
	s5 =	ssub.s32 $0x2, s5;
	s10 =	sshll.u32 s6, $0x11  }
0xa: {  	s1 =	rddreg [dreg:$0x3];
	_ =	strace $0x80000047;
	s6 =	sadd.s32 s11, s10  }
0xb: {  	p0 =	por $0x0, $0x0;
	s8 =	sor.u32 $0x2000, s10;
	s7 =	sshrl.u32 s6, $0x3  }
0xc: {  	s9 =	sadd.s32 $0x400000, s6;
	s24 =	sadd.s32 $0x800000, s6;
	s26 =	sadd.s32 $0xC00000, s6  }
0xd: {  	s12 =	sadd.s32 $0x1000000, s6;
	s31 =	sadd.s32 $0x1400000, s6;
	s14 =	sadd.s32 s11, s8  }
0xe: {  	s7 =	sadd.s32 s4, s7;
	s9 =	sshrl.u32 s9, $0x3;
	s25 =	sshrl.u32 s24, $0x3  }
0xf: {  	s29 =	sshrl.u32 s12, $0x3;
	s12 =	sadd.s32 $0x1800000, s6;
	s6 =	sadd.s32 $0x1C00000, s6  }
0x10: {  	s15 =	sshrl.u32 s14, $0x3;
	s16 =	sadd.s32 $0x400000, s14;
	s17 =	sadd.s32 $0x800000, s14  }
0x11: {  	s21 =	sadd.s32 $0xC00000, s14;
	s24 =	sadd.s32 $0x1400000, s14;
	[dreg:$0x5] =	wrdreg s7  }
0x12: {  	s23 =	sadd.s32 s4, s9;
	s7 =	sadd.s32 s4, s25;
	s9 =	sshrl.u32 s26, $0x3  }
0x13: {  	s30 =	sadd.s32 s4, s29;
	s6 =	sshrl.u32 s6, $0x3;
	s19 =	sshrl.u32 s17, $0x3  }
0x14: {  	s22 =	sshrl.u32 s21, $0x3;
	s26 =	sshrl.u32 s24, $0x3;
	[dreg:$0x6] =	wrdreg s23  }
0x15: {  	s29 =	sadd.s32 $0x1800000, s14;
	[dreg:$0x7] =	wrdreg s7;
	s28 =	sadd.s32 s4, s9  }
0x16: {  	[dreg:$0x9] =	wrdreg s30;
	s9 =	sshrl.u32 s31, $0x3;
	s6 =	sadd.s32 s4, s6  }
0x17: {  	s20 =	sadd.s32 s4, s19;
	s23 =	sadd.s32 $0x1000000, s14;
	[dreg:$0x8] =	wrdreg s28  }
0x18: {  	s30 =	sshrl.u32 s29, $0x3;
	s7 =	sadd.s32 s4, s9;
	[dreg:$0xc] =	wrdreg s6  }
0x19: {  	s9 =	sshrl.u32 s12, $0x3;
	s6 =	sadd.s32 s4, s15;
	[dreg:$0xf] =	wrdreg s20  }
0x1a: {  	s28 =	sadd.s32 s4, s26;
	s12 =	sshrl.u32 s5, $0x1;
	[dreg:$0xa] =	wrdreg s7  }
0x1b: {  	s13 =	sadd.s32 s4, s9;
	s9 =	sshrl.u32 s16, $0x3;
	[dreg:$0xd] =	wrdreg s6  }
0x1c: {  	s6 =	sadd.s32 s4, s22;
	[dreg:$0x12] =	wrdreg s28;
	s7 =	sadd.s32 $0x1C00000, s14  }
0x1d: {  	s5 =	ssub.s32 s5, s12;
	s12 =	sadd.s32 $0x3FEA, s0;
	[dreg:$0xb] =	wrdreg s13  }
0x1e: {  	s18 =	sadd.s32 s4, s9;
	s9 =	sshrl.u32 s23, $0x3;
	[dreg:$0x10] =	wrdreg s6  }
0x1f: {  	s6 =	sor.u32 $0x12000, s10;
	s7 =	sshrl.u32 s7, $0x3;
	[dreg:$0xe] =	wrdreg s18  }
0x20: {  	s25 =	sadd.s32 s4, s9;
	s9 =	sadd.s32 s4, s30;
	s31 =	sadd.s32 s11, s6  }
0x21: {  	s7 =	sadd.s32 s4, s7;
	s30 =	smax.u32 s5, $0x1;
	[dreg:$0x11] =	wrdreg s25  }
0x22: {  	s5 =	simm.s32 $0x80;
	[dreg:$0x13] =	wrdreg s9;
	s13 =	sshrl.u32 s31, $0x3  }
0x23: {  	s14 =	sadd.s32 $0x400000, s31;
	[dreg:$0x14] =	wrdreg s7;
	s18 =	sadd.s32 $0x800000, s31  }
0x24: {  	s20 =	sadd.s32 $0xC00000, s31;
	s21 =	sadd.s32 $0x1000000, s31;
	s25 =	sadd.s32 $0x1400000, s31  }
0x25: {  	s28 =	sadd.s32 $0x1800000, s31;
	s9 =	sadd.s32 $0x1C00000, s31;
	s31 =	simm.s32 $0x400000  }
0x26: {  	s15 =	sadd.s32 s4, s13;
	s16 =	sshrl.u32 s14, $0x3;
	s19 =	sshrl.u32 s18, $0x3  }
0x27: {  	s13 =	sshrl.u32 s20, $0x3;
	s23 =	sshrl.u32 s21, $0x3;
	s26 =	sshrl.u32 s25, $0x3  }
0x28: {  	s9 =	sshrl.u32 s9, $0x3;
	[dreg:$0x1d] =	wrdreg s31;
	s14 =	simm.s32 $0x2  }
0x29: {  	[dreg:$0x15] =	wrdreg s15;
	s17 =	sadd.s32 s4, s16;
	s7 =	sadd.s32 s4, s19  }
0x2a: {  	s22 =	sadd.s32 s4, s13;
	s16 =	sadd.s32 $0xFFFFFFFF, s30;
	[dreg:$0x16] =	wrdreg s17  }
0x2b: {  	s24 =	sadd.s32 s4, s23;
	[dreg:$0x17] =	wrdreg s7;
	p1 =	sne.s32 s16, $0x0  }
.Ltmp0:
0x2c: {  	s13 =	sshrl.u32 s28, $0x3;
	[dreg:$0x18] =	wrdreg s22;
	(pc) =	sbr.rel @!p1 .LBB2_3-.Ltmp0, $4  }
0x2d: {  	s15 =	simm.s32 $0x5;
	[dreg:$0x19] =	wrdreg s24;
	s7 =	sadd.s32 s4, s26  }
0x2e: {  	s29 =	sadd.s32 s4, s13;
	s4 =	sadd.s32 s4, s9;
	[dreg:$0x1a] =	wrdreg s7  }
0x2f: {  	s13 =	simm.s32 $0xE080;
	s9 =	simm.s32 $0x4;
	[dreg:$0x1b] =	wrdreg s29  }
0x30: {  	s7 =	simm.s32 $0x1;
	[dreg:$0x1c] =	wrdreg s4;
	s4 =	simm.s32 $0x3  }
0x31: {  	s17 =	rddreg [dreg:$0x4]  }
0x32: {  	[tilespmem:s2], [sflag:$0x5] =	stream.linear.gather [hbm4b:s17+s2], $0x8, $0x38;
	[tilespmem:$0x1E080] =	vst v63  }
0x33: {  	_ =	swait.ge [sflag:s15], $0x8  }
0x34: {  	[sflag:s15] =	ssyncset.done $0x0  }
0x35: {  	[sflag:s15] =	ssyncadd.s32 $0xFFFFFFF8  }
0x36: {  	v0 =	vld [tilespmem:$0x0];
	_ =	sdelay $0x4  }
0x37: {  	(v2sf) =	vpush v0, $0x0  }
0x38: {  	(v2sf) =	vpush v0, $0x1;
	_ =	sdelay $0x2  }
0x39: {  	(v2sf) =	vpush v0, $0x2;
	_ =	sdelay $0x2  }
0x3a: {  	(v2sf) =	vpush v0, $0x3;
	_ =	sdelay $0x2  }
0x3b: {  	(v2sf) =	vpush v0, $0x4;
	_ =	sdelay $0x2  }
0x3c: {  	(v2sf) =	vpush v0, $0x5;
	_ =	sdelay $0x1  }
0x3d: {  	s17 =	spop (v2sf)  }
0x3e: {  	(v2sf) =	vpush v0, $0x6;
	s18 =	spop (v2sf)  }
0x3f: {  	p0 =	sgt.f32 s18, s17;
	_ =	sdelay $0x1  }
0x40: {  	(v2sf) =	vpush v0, $0x7;
	s19 =	spop (v2sf);
	s17 =	smov.u32 @p0 s18  }
0x41: {  	p1 =	sgt.f32 s19, s17;
	_ =	sdelay $0x1  }
0x42: {  	s18 =	spop (v2sf);
	s17 =	smov.u32 @p1 s19  }
0x43: {  	p2 =	sgt.f32 s18, s17;
	_ =	sdelay $0x1  }
0x44: {  	s19 =	spop (v2sf);
	s17 =	smov.u32 @p2 s18  }
0x45: {  	p3 =	sgt.f32 s19, s17;
	_ =	sdelay $0x1  }
0x46: {  	s20 =	spop (v2sf);
	s17 =	smov.u32 @p3 s19  }
0x47: {  	p4 =	sgt.f32 s20, s17  }
0x48: {  	s18 =	rddreg [dreg:$0x1d]  }
0x49: {  	s18 =	simm.s32 @!p0 $0x0;
	s19 =	spop (v2sf);
	s17 =	smov.u32 @p4 s20  }
0x4a: {  	s18 =	simm.s32 @p1 $0x800000;
	p0 =	sgt.f32 s19, s17  }
0x4b: {  	s18 =	simm.s32 @p2 $0xC00000  }
0x4c: {  	s18 =	simm.s32 @p3 $0x1000000;
	s21 =	spop (v2sf);
	s17 =	smov.u32 @p0 s19  }
0x4d: {  	s26 =	sld [smem:$0x7FF];
	s18 =	simm.s32 @p4 $0x1400000;
	p1 =	sgt.f32 s21, s17  }
0x4e: {  	s18 =	simm.s32 @p0 $0x1800000  }
0x4f: {  	s18 =	simm.s32 @p1 $0x1C00000  }
0x50: {  	p0 =	seq.s32 s26, $0x1;
	s19 =	sand.u32 $0x7, s18  }
0x51: {  	p1 =	sne.s32 @!p0 s19, $0x0  }
0x52: {  	p0 =	por !p1, p0  }
0x53: {  	s17 =	sor.u32 @!p0 $0x100000, s12  }
0x54: {  	s20 =	simm.s32 @!p0 $0x0;
	[smem:s17], [sflag:$0x0] =	smem.add.s32 @!p0 $0x8A  }
0x55: {  	s17 =	simm.s32 @!p0 $0x1;
	_ =	swait.done @!p0 [sflag:s20]  }
0x56: {  	[smem:$0x7FF] =	sst @!p0 s17  }
0x57: {  	s17 =	sadd.s32 s11, s18;
	_ =	sint @!p0 $0x2  }
0x58: {  	s18 =	sadd.s32 s10, s17;
	_ =	swait.notdone @!p0 [sflag:s20]  }
0x59: {  	s18 =	sshrl.u32 s18, $0x3;
	s20 =	sld [smem:$0x7FF]  }
0x5a: {  	p0 =	seq.s32 s19, $0x0;
	s18 =	sadd.s32 s3, s18  }
0x5b: {  	[tilespmem:s5], [sflag:$0x1] =	stream.linear.gather [hbm4b:s18+s2], $0x2000, $0x38;
	[tilespmem:$0x1E080] =	vst v63  }
0x5c: {  	p1 =	sne.s32 @!p0 s20, $0x1  }
0x5d: {  	p1 =	por !p1, p0  }
0x5e: {  	s18 =	sor.u32 @!p1 $0x100000, s12  }
0x5f: {  	s19 =	simm.s32 @!p1 $0x0;
	[smem:s18], [sflag:$0x0] =	smem.add.s32 @!p1 $0x8B  }
0x60: {  	s18 =	simm.s32 @!p1 $0x1;
	_ =	swait.done @!p1 [sflag:s19]  }
0x61: {  	s28 =	sadd.s32 s8, s17;
	[smem:$0x7FF] =	sst @!p1 s18  }
0x62: {  	s29 =	sshrl.u32 s28, $0x3;
	_ =	sint @!p1 $0x2  }
0x63: {  	s18 =	sadd.s32 s3, s29;
	_ =	swait.notdone @!p1 [sflag:s19]  }
0x64: {  	[tilespmem:s13], [sflag:$0x2] =	stream.linear.gather [hbm4b:s18+s2], $0x10000, $0x38;
	[tilespmem:$0x1E080] =	vst v63  }
0x65: {  	_ =	swait.ge [sflag:s7], $0x2000  }
0x66: {  	[sflag:s7] =	ssyncset.done $0x0  }
0x67: {  	s30 =	rddreg [dreg:$0x5];
	[sflag:s7] =	ssyncadd.s32 $0xFFFFE000  }
0x68: {  	[hbm4b:s30+s2] =	stream.linear.scatter [tilespmem:s5], [sflag:$0x3], $0x2000, $0x38;
	[tilespmem:$0x1E080] =	vst v63  }
0x69: {  	s31 =	rddreg [dreg:$0x6]  }
0x6a: {  	[hbm4b:s31+s2] =	stream.linear.scatter [tilespmem:s5], [sflag:$0x3], $0x2000, $0x38;
	[tilespmem:$0x1E080] =	vst v63  }
0x6b: {  	s20 =	rddreg [dreg:$0x7]  }
0x6c: {  	[hbm4b:s20+s2] =	stream.linear.scatter [tilespmem:s5], [sflag:$0x3], $0x2000, $0x38;
	[tilespmem:$0x1E080] =	vst v63  }
0x6d: {  	s21 =	rddreg [dreg:$0x8]  }
0x6e: {  	[hbm4b:s21+s2] =	stream.linear.scatter [tilespmem:s5], [sflag:$0x3], $0x2000, $0x38;
	[tilespmem:$0x1E080] =	vst v63  }
0x6f: {  	s22 =	rddreg [dreg:$0x9]  }
0x70: {  	[hbm4b:s22+s2] =	stream.linear.scatter [tilespmem:s5], [sflag:$0x3], $0x2000, $0x38;
	[tilespmem:$0x1E080] =	vst v63  }
0x71: {  	s23 =	rddreg [dreg:$0xa]  }
0x72: {  	[hbm4b:s23+s2] =	stream.linear.scatter [tilespmem:s5], [sflag:$0x3], $0x2000, $0x38;
	[tilespmem:$0x1E080] =	vst v63  }
0x73: {  	s24 =	rddreg [dreg:$0xb]  }
0x74: {  	[hbm4b:s24+s2] =	stream.linear.scatter [tilespmem:s5], [sflag:$0x3], $0x2000, $0x38;
	[tilespmem:$0x1E080] =	vst v63  }
0x75: {  	s25 =	rddreg [dreg:$0xc]  }
0x76: {  	[hbm4b:s25+s2] =	stream.linear.scatter [tilespmem:s5], [sflag:$0x3], $0x2000, $0x38;
	[tilespmem:$0x1E080] =	vst v63  }
0x77: {  	_ =	swait.ge [sflag:s14], $0x10000  }
0x78: {  	[sflag:s14] =	ssyncset.done $0x0  }
0x79: {  	s26 =	rddreg [dreg:$0xd];
	[sflag:s14] =	ssyncadd.s32 $0xFFFF0000  }
0x7a: {  	[hbm4b:s26+s2] =	stream.linear.scatter [tilespmem:s13], [sflag:$0x4], $0x10000, $0x38;
	[tilespmem:$0x1E080] =	vst v63  }
0x7b: {  	s28 =	rddreg [dreg:$0xe]  }
0x7c: {  	[hbm4b:s28+s2] =	stream.linear.scatter [tilespmem:s13], [sflag:$0x4], $0x10000, $0x38;
	[tilespmem:$0x1E080] =	vst v63  }
0x7d: {  	s29 =	rddreg [dreg:$0xf]  }
0x7e: {  	[hbm4b:s29+s2] =	stream.linear.scatter [tilespmem:s13], [sflag:$0x4], $0x10000, $0x38;
	[tilespmem:$0x1E080] =	vst v63  }
0x7f: {  	s30 =	rddreg [dreg:$0x10]  }
0x80: {  	[hbm4b:s30+s2] =	stream.linear.scatter [tilespmem:s13], [sflag:$0x4], $0x10000, $0x38;
	[tilespmem:$0x1E080] =	vst v63  }
0x81: {  	s31 =	rddreg [dreg:$0x11]  }
0x82: {  	[hbm4b:s31+s2] =	stream.linear.scatter [tilespmem:s13], [sflag:$0x4], $0x10000, $0x38;
	[tilespmem:$0x1E080] =	vst v63  }
0x83: {  	s20 =	rddreg [dreg:$0x12]  }
0x84: {  	[hbm4b:s20+s2] =	stream.linear.scatter [tilespmem:s13], [sflag:$0x4], $0x10000, $0x38;
	[tilespmem:$0x1E080] =	vst v63  }
0x85: {  	s21 =	rddreg [dreg:$0x13]  }
0x86: {  	[hbm4b:s21+s2] =	stream.linear.scatter [tilespmem:s13], [sflag:$0x4], $0x10000, $0x38;
	[tilespmem:$0x1E080] =	vst v63  }
0x87: {  	s22 =	rddreg [dreg:$0x14]  }
0x88: {  	[hbm4b:s22+s2] =	stream.linear.scatter [tilespmem:s13], [sflag:$0x4], $0x10000, $0x38;
	[tilespmem:$0x1E080] =	vst v63  }
0x89: {  	_ =	swait.ge [sflag:s4], $0x2000  }
0x8a: {  	[sflag:s4] =	ssyncset.done $0x0  }
0x8b: {  	[sflag:s4] =	ssyncadd.s32 $0xFFFFE000  }
0x8c: {  	_ =	swait.ge [sflag:s4], $0x2000  }
0x8d: {  	[sflag:s4] =	ssyncset.done $0x0  }
0x8e: {  	[sflag:s4] =	ssyncadd.s32 $0xFFFFE000  }
0x8f: {  	_ =	swait.ge [sflag:s4], $0x2000  }
0x90: {  	[sflag:s4] =	ssyncset.done $0x0  }
0x91: {  	[sflag:s4] =	ssyncadd.s32 $0xFFFFE000  }
0x92: {  	_ =	swait.ge [sflag:s4], $0x2000  }
0x93: {  	[sflag:s4] =	ssyncset.done $0x0  }
0x94: {  	[sflag:s4] =	ssyncadd.s32 $0xFFFFE000  }
0x95: {  	_ =	swait.ge [sflag:s4], $0x2000  }
0x96: {  	[sflag:s4] =	ssyncset.done $0x0  }
0x97: {  	[sflag:s4] =	ssyncadd.s32 $0xFFFFE000  }
0x98: {  	_ =	swait.ge [sflag:s4], $0x2000  }
0x99: {  	[sflag:s4] =	ssyncset.done $0x0  }
0x9a: {  	[sflag:s4] =	ssyncadd.s32 $0xFFFFE000  }
0x9b: {  	_ =	swait.ge [sflag:s4], $0x2000  }
0x9c: {  	[sflag:s4] =	ssyncset.done $0x0  }
0x9d: {  	[sflag:s4] =	ssyncadd.s32 $0xFFFFE000  }
0x9e: {  	_ =	swait.ge [sflag:s4], $0x2000  }
0x9f: {  	s18 =	sld [smem:$0x7FF];
	_ =	sdelay $0x2  }
0xa0: {  	p1 =	sne.s32 @!p0 s18, $0x1  }
0xa1: {  	[sflag:s4] =	ssyncset.done $0x0;
	p0 =	por !p1, p0  }
0xa2: {  	[sflag:s4] =	ssyncadd.s32 $0xFFFFE000;
	s18 =	sor.u32 @!p0 $0x100000, s12  }
0xa3: {  	s19 =	simm.s32 @!p0 $0x0;
	[smem:s18], [sflag:$0x0] =	smem.add.s32 @!p0 $0xBE  }
0xa4: {  	s18 =	simm.s32 @!p0 $0x1;
	_ =	swait.done @!p0 [sflag:s19]  }
0xa5: {  	s17 =	sadd.s32 s6, s17;
	[smem:$0x7FF] =	sst @!p0 s18  }
0xa6: {  	s17 =	sshrl.u32 s17, $0x3;
	_ =	sint @!p0 $0x2  }
0xa7: {  	s17 =	sadd.s32 s3, s17;
	_ =	swait.notdone @!p0 [sflag:s19]  }
0xa8: {  	[tilespmem:s5], [sflag:$0x1] =	stream.linear.gather [hbm4b:s17+s2], $0xE000, $0x38;
	[tilespmem:$0x1E080] =	vst v63  }
0xa9: {  	_ =	swait.ge [sflag:s9], $0x10000  }
0xaa: {  	[sflag:s9] =	ssyncset.done $0x0  }
0xab: {  	[sflag:s9] =	ssyncadd.s32 $0xFFFF0000  }
0xac: {  	_ =	swait.ge [sflag:s9], $0x10000  }
0xad: {  	[sflag:s9] =	ssyncset.done $0x0  }
0xae: {  	[sflag:s9] =	ssyncadd.s32 $0xFFFF0000  }
0xaf: {  	_ =	swait.ge [sflag:s9], $0x10000  }
0xb0: {  	[sflag:s9] =	ssyncset.done $0x0  }
0xb1: {  	[sflag:s9] =	ssyncadd.s32 $0xFFFF0000  }
0xb2: {  	_ =	swait.ge [sflag:s9], $0x10000  }
0xb3: {  	[sflag:s9] =	ssyncset.done $0x0  }
0xb4: {  	[sflag:s9] =	ssyncadd.s32 $0xFFFF0000  }
0xb5: {  	_ =	swait.ge [sflag:s9], $0x10000  }
0xb6: {  	[sflag:s9] =	ssyncset.done $0x0  }
0xb7: {  	[sflag:s9] =	ssyncadd.s32 $0xFFFF0000  }
0xb8: {  	_ =	swait.ge [sflag:s9], $0x10000  }
0xb9: {  	[sflag:s9] =	ssyncset.done $0x0  }
0xba: {  	[sflag:s9] =	ssyncadd.s32 $0xFFFF0000  }
0xbb: {  	_ =	swait.ge [sflag:s9], $0x10000  }
0xbc: {  	[sflag:s9] =	ssyncset.done $0x0  }
0xbd: {  	[sflag:s9] =	ssyncadd.s32 $0xFFFF0000  }
0xbe: {  	_ =	swait.ge [sflag:s9], $0x10000  }
0xbf: {  	[sflag:s9] =	ssyncset.done $0x0  }
0xc0: {  	[sflag:s9] =	ssyncadd.s32 $0xFFFF0000  }
0xc1: {  	_ =	swait.ge [sflag:s7], $0xE000  }
0xc2: {  	[sflag:s7] =	ssyncset.done $0x0  }
0xc3: {  	s23 =	rddreg [dreg:$0x15];
	[sflag:s7] =	ssyncadd.s32 $0xFFFF2000  }
0xc4: {  	[hbm4b:s23+s2] =	stream.linear.scatter [tilespmem:s5], [sflag:$0x3], $0xE000, $0x38;
	[tilespmem:$0x1E080] =	vst v63  }
0xc5: {  	s24 =	rddreg [dreg:$0x16]  }
0xc6: {  	[hbm4b:s24+s2] =	stream.linear.scatter [tilespmem:s5], [sflag:$0x3], $0xE000, $0x38;
	[tilespmem:$0x1E080] =	vst v63  }
0xc7: {  	s25 =	rddreg [dreg:$0x17]  }
0xc8: {  	[hbm4b:s25+s2] =	stream.linear.scatter [tilespmem:s5], [sflag:$0x3], $0xE000, $0x38;
	[tilespmem:$0x1E080] =	vst v63  }
0xc9: {  	s26 =	rddreg [dreg:$0x18]  }
0xca: {  	[hbm4b:s26+s2] =	stream.linear.scatter [tilespmem:s5], [sflag:$0x3], $0xE000, $0x38;
	[tilespmem:$0x1E080] =	vst v63  }
0xcb: {  	s28 =	rddreg [dreg:$0x19]  }
0xcc: {  	[hbm4b:s28+s2] =	stream.linear.scatter [tilespmem:s5], [sflag:$0x3], $0xE000, $0x38;
	[tilespmem:$0x1E080] =	vst v63  }
0xcd: {  	s29 =	rddreg [dreg:$0x1a]  }
0xce: {  	[hbm4b:s29+s2] =	stream.linear.scatter [tilespmem:s5], [sflag:$0x3], $0xE000, $0x38;
	[tilespmem:$0x1E080] =	vst v63  }
0xcf: {  	s30 =	rddreg [dreg:$0x1b]  }
0xd0: {  	[hbm4b:s30+s2] =	stream.linear.scatter [tilespmem:s5], [sflag:$0x3], $0xE000, $0x38;
	[tilespmem:$0x1E080] =	vst v63  }
0xd1: {  	s31 =	rddreg [dreg:$0x1c]  }
0xd2: {  	[hbm4b:s31+s2] =	stream.linear.scatter [tilespmem:s5], [sflag:$0x3], $0xE000, $0x38;
	[tilespmem:$0x1E080] =	vst v63  }
0xd3: {  	_ =	swait.ge [sflag:s4], $0xE000  }
0xd4: {  	[sflag:s4] =	ssyncset.done $0x0  }
0xd5: {  	[sflag:s4] =	ssyncadd.s32 $0xFFFF2000  }
0xd6: {  	_ =	swait.ge [sflag:s4], $0xE000  }
0xd7: {  	[sflag:s4] =	ssyncset.done $0x0  }
0xd8: {  	[sflag:s4] =	ssyncadd.s32 $0xFFFF2000  }
0xd9: {  	_ =	swait.ge [sflag:s4], $0xE000  }
0xda: {  	[sflag:s4] =	ssyncset.done $0x0  }
0xdb: {  	[sflag:s4] =	ssyncadd.s32 $0xFFFF2000  }
0xdc: {  	_ =	swait.ge [sflag:s4], $0xE000  }
0xdd: {  	[sflag:s4] =	ssyncset.done $0x0  }
0xde: {  	[sflag:s4] =	ssyncadd.s32 $0xFFFF2000  }
0xdf: {  	_ =	swait.ge [sflag:s4], $0xE000  }
0xe0: {  	[sflag:s4] =	ssyncset.done $0x0  }
0xe1: {  	[sflag:s4] =	ssyncadd.s32 $0xFFFF2000  }
0xe2: {  	s16 =	sadd.s32 $0xFFFFFFFF, s16;
	_ =	swait.ge [sflag:s4], $0xE000  }
0xe3: {  	p1 =	sne.s32 s16, $0x0;
	[sflag:s4] =	ssyncset.done $0x0  }
.Ltmp1:
0xe4: {  	[sflag:s4] =	ssyncadd.s32 $0xFFFF2000;
	(pc) =	sbr.rel @!p1 .LBB2_3-.Ltmp1, $4  }
0xe5: {  	_ =	swait.ge [sflag:s4], $0xE000  }
0xe6: {  	[sflag:s4] =	ssyncset.done $0x0  }
0xe7: {  	[sflag:s4] =	ssyncadd.s32 $0xFFFF2000  }
0xe8: {  	p0 =	por $0x1, $0x1;
	_ =	swait.ge [sflag:s4], $0xE000  }
.LBB2_2:
0xe9: {  	[sflag:s4] =	ssyncset.done $0x0  }
0xea: {  	s17 =	rddreg [dreg:$0x4];
	[sflag:s4] =	ssyncadd.s32 $0xFFFF2000  }
0xeb: {  	[tilespmem:s2], [sflag:$0x5] =	stream.linear.gather [hbm4b:s17+s2], $0x8, $0x38;
	[tilespmem:$0x1E080] =	vst v63  }
0xec: {  	_ =	swait.ge [sflag:s15], $0x8  }
0xed: {  	[sflag:s15] =	ssyncset.done $0x0  }
0xee: {  	[sflag:s15] =	ssyncadd.s32 $0xFFFFFFF8  }
0xef: {  	v0 =	vld [tilespmem:$0x0];
	_ =	sdelay $0x4  }
0xf0: {  	(v2sf) =	vpush v0, $0x0  }
0xf1: {  	(v2sf) =	vpush v0, $0x1;
	_ =	sdelay $0x2  }
0xf2: {  	(v2sf) =	vpush v0, $0x2;
	_ =	sdelay $0x2  }
0xf3: {  	(v2sf) =	vpush v0, $0x3;
	_ =	sdelay $0x2  }
0xf4: {  	(v2sf) =	vpush v0, $0x4;
	_ =	sdelay $0x2  }
0xf5: {  	(v2sf) =	vpush v0, $0x5;
	_ =	sdelay $0x1  }
0xf6: {  	s17 =	spop (v2sf)  }
0xf7: {  	(v2sf) =	vpush v0, $0x6;
	s18 =	spop (v2sf)  }
0xf8: {  	p2 =	sgt.f32 s18, s17;
	_ =	sdelay $0x1  }
0xf9: {  	s19 =	spop (v2sf);
	(v2sf) =	vpush v0, $0x7;
	s17 =	smov.u32 @p2 s18  }
0xfa: {  	p3 =	sgt.f32 s19, s17;
	_ =	sdelay $0x1  }
0xfb: {  	s18 =	spop (v2sf);
	s17 =	smov.u32 @p3 s19  }
0xfc: {  	p4 =	sgt.f32 s18, s17;
	_ =	sdelay $0x1  }
0xfd: {  	s19 =	spop (v2sf);
	s17 =	smov.u32 @p4 s18  }
0xfe: {  	p5 =	sgt.f32 s19, s17;
	_ =	sdelay $0x1  }
0xff: {  	s20 =	spop (v2sf);
	s17 =	smov.u32 @p5 s19  }
0x100: {  	p6 =	sgt.f32 s20, s17  }
0x101: {  	s18 =	rddreg [dreg:$0x1d]  }
0x102: {  	s18 =	simm.s32 @!p2 $0x0;
	s21 =	spop (v2sf);
	s17 =	smov.u32 @p6 s20  }
0x103: {  	s18 =	simm.s32 @p3 $0x800000;
	p2 =	sgt.f32 s21, s17  }
0x104: {  	s18 =	simm.s32 @p4 $0xC00000  }
0x105: {  	s18 =	simm.s32 @p5 $0x1000000;
	s30 =	spop (v2sf);
	s17 =	smov.u32 @p2 s21  }
0x106: {  	s29 =	sld [smem:$0x7FF];
	s18 =	simm.s32 @p6 $0x1400000;
	p3 =	sgt.f32 s30, s17  }
0x107: {  	s18 =	simm.s32 @p2 $0x1800000  }
0x108: {  	s18 =	simm.s32 @p3 $0x1C00000  }
0x109: {  	p2 =	seq.s32 s29, $0x1;
	s31 =	sadd.s32 s11, s18;
	s18 =	sand.u32 $0x7, s18  }
0x10a: {  	p3 =	sne.s32 @!p2 s18, $0x0  }
0x10b: {  	p2 =	por !p3, p2  }
0x10c: {  	s21 =	sor.u32 @!p2 $0x100000, s12  }
0x10d: {  	s22 =	simm.s32 @!p2 $0x0;
	[smem:s21], [sflag:$0x0] =	smem.add.s32 @!p2 $0x8A  }
0x10e: {  	s21 =	simm.s32 @!p2 $0x1;
	_ =	swait.done @!p2 [sflag:s22]  }
0x10f: {  	[smem:$0x7FF] =	sst @!p2 s21  }
0x110: {  	s23 =	sadd.s32 s10, s31;
	_ =	sint @!p2 $0x2  }
0x111: {  	s19 =	sshrl.u32 s23, $0x3;
	_ =	swait.notdone @!p2 [sflag:s22]  }
0x112: {  	s25 =	sadd.s32 s3, s19;
	s19 =	sld [smem:$0x7FF]  }
0x113: {  	p2 =	seq.s32 s18, $0x0  }
0x114: {  	[tilespmem:s5], [sflag:$0x1] =	stream.linear.gather [hbm4b:s25+s2], $0x2000, $0x38;
	[tilespmem:$0x1E080] =	vst v63  }
0x115: {  	p3 =	sne.s32 @!p2 s19, $0x1  }
0x116: {  	p3 =	por !p3, p2  }
0x117: {  	s18 =	sor.u32 @!p3 $0x100000, s12  }
0x118: {  	s19 =	simm.s32 @!p3 $0x0;
	[smem:s18], [sflag:$0x0] =	smem.add.s32 @!p3 $0x8B  }
0x119: {  	s18 =	simm.s32 @!p3 $0x1;
	_ =	swait.done @!p3 [sflag:s19]  }
0x11a: {  	s24 =	sadd.s32 s8, s31;
	[smem:$0x7FF] =	sst @!p3 s18  }
0x11b: {  	s20 =	sshrl.u32 s24, $0x3;
	_ =	sint @!p3 $0x2  }
0x11c: {  	s26 =	sadd.s32 s3, s20;
	_ =	swait.notdone @!p3 [sflag:s19]  }
0x11d: {  	[tilespmem:s13], [sflag:$0x2] =	stream.linear.gather [hbm4b:s26+s2], $0x10000, $0x38;
	[tilespmem:$0x1E080] =	vst v63  }
0x11e: {  	_ =	swait.ge [sflag:s7], $0x2000  }
0x11f: {  	[sflag:s7] =	ssyncset.done $0x0  }
0x120: {  	s28 =	rddreg [dreg:$0x5];
	[sflag:s7] =	ssyncadd.s32 $0xFFFFE000  }
0x121: {  	[hbm4b:s28+s2] =	stream.linear.scatter [tilespmem:s5], [sflag:$0x3], $0x2000, $0x38;
	[tilespmem:$0x1E080] =	vst v63  }
0x122: {  	s29 =	rddreg [dreg:$0x6]  }
0x123: {  	[hbm4b:s29+s2] =	stream.linear.scatter [tilespmem:s5], [sflag:$0x3], $0x2000, $0x38;
	[tilespmem:$0x1E080] =	vst v63  }
0x124: {  	s30 =	rddreg [dreg:$0x7]  }
0x125: {  	[hbm4b:s30+s2] =	stream.linear.scatter [tilespmem:s5], [sflag:$0x3], $0x2000, $0x38;
	[tilespmem:$0x1E080] =	vst v63  }
0x126: {  	s17 =	sadd.s32 s6, s31;
	s31 =	rddreg [dreg:$0x8]  }
0x127: {  	[hbm4b:s31+s2] =	stream.linear.scatter [tilespmem:s5], [sflag:$0x3], $0x2000, $0x38;
	[tilespmem:$0x1E080] =	vst v63  }
0x128: {  	s21 =	rddreg [dreg:$0x9]  }
0x129: {  	[hbm4b:s21+s2] =	stream.linear.scatter [tilespmem:s5], [sflag:$0x3], $0x2000, $0x38;
	[tilespmem:$0x1E080] =	vst v63  }
0x12a: {  	s22 =	rddreg [dreg:$0xa]  }
0x12b: {  	[hbm4b:s22+s2] =	stream.linear.scatter [tilespmem:s5], [sflag:$0x3], $0x2000, $0x38;
	[tilespmem:$0x1E080] =	vst v63  }
0x12c: {  	s23 =	rddreg [dreg:$0xb]  }
0x12d: {  	[hbm4b:s23+s2] =	stream.linear.scatter [tilespmem:s5], [sflag:$0x3], $0x2000, $0x38;
	[tilespmem:$0x1E080] =	vst v63  }
0x12e: {  	s24 =	rddreg [dreg:$0xc]  }
0x12f: {  	[hbm4b:s24+s2] =	stream.linear.scatter [tilespmem:s5], [sflag:$0x3], $0x2000, $0x38;
	[tilespmem:$0x1E080] =	vst v63  }
0x130: {  	_ =	swait.ge [sflag:s14], $0x10000  }
0x131: {  	[sflag:s14] =	ssyncset.done $0x0  }
0x132: {  	s25 =	rddreg [dreg:$0xd];
	[sflag:s14] =	ssyncadd.s32 $0xFFFF0000  }
0x133: {  	[hbm4b:s25+s2] =	stream.linear.scatter [tilespmem:s13], [sflag:$0x4], $0x10000, $0x38;
	[tilespmem:$0x1E080] =	vst v63  }
0x134: {  	s26 =	rddreg [dreg:$0xe]  }
0x135: {  	[hbm4b:s26+s2] =	stream.linear.scatter [tilespmem:s13], [sflag:$0x4], $0x10000, $0x38;
	[tilespmem:$0x1E080] =	vst v63  }
0x136: {  	s28 =	rddreg [dreg:$0xf]  }
0x137: {  	[hbm4b:s28+s2] =	stream.linear.scatter [tilespmem:s13], [sflag:$0x4], $0x10000, $0x38;
	[tilespmem:$0x1E080] =	vst v63  }
0x138: {  	s29 =	rddreg [dreg:$0x10]  }
0x139: {  	[hbm4b:s29+s2] =	stream.linear.scatter [tilespmem:s13], [sflag:$0x4], $0x10000, $0x38;
	[tilespmem:$0x1E080] =	vst v63  }
0x13a: {  	s30 =	rddreg [dreg:$0x11]  }
0x13b: {  	[hbm4b:s30+s2] =	stream.linear.scatter [tilespmem:s13], [sflag:$0x4], $0x10000, $0x38;
	[tilespmem:$0x1E080] =	vst v63  }
0x13c: {  	s31 =	rddreg [dreg:$0x12]  }
0x13d: {  	[hbm4b:s31+s2] =	stream.linear.scatter [tilespmem:s13], [sflag:$0x4], $0x10000, $0x38;
	[tilespmem:$0x1E080] =	vst v63  }
0x13e: {  	s21 =	rddreg [dreg:$0x13]  }
0x13f: {  	[hbm4b:s21+s2] =	stream.linear.scatter [tilespmem:s13], [sflag:$0x4], $0x10000, $0x38;
	[tilespmem:$0x1E080] =	vst v63  }
0x140: {  	s22 =	rddreg [dreg:$0x14]  }
0x141: {  	[hbm4b:s22+s2] =	stream.linear.scatter [tilespmem:s13], [sflag:$0x4], $0x10000, $0x38;
	[tilespmem:$0x1E080] =	vst v63  }
0x142: {  	_ =	swait.ge [sflag:s4], $0x2000  }
0x143: {  	[sflag:s4] =	ssyncset.done $0x0  }
0x144: {  	[sflag:s4] =	ssyncadd.s32 $0xFFFFE000  }
0x145: {  	_ =	swait.ge [sflag:s4], $0x2000  }
0x146: {  	[sflag:s4] =	ssyncset.done $0x0  }
0x147: {  	[sflag:s4] =	ssyncadd.s32 $0xFFFFE000  }
0x148: {  	_ =	swait.ge [sflag:s4], $0x2000  }
0x149: {  	[sflag:s4] =	ssyncset.done $0x0  }
0x14a: {  	[sflag:s4] =	ssyncadd.s32 $0xFFFFE000  }
0x14b: {  	_ =	swait.ge [sflag:s4], $0x2000  }
0x14c: {  	[sflag:s4] =	ssyncset.done $0x0  }
0x14d: {  	[sflag:s4] =	ssyncadd.s32 $0xFFFFE000  }
0x14e: {  	_ =	swait.ge [sflag:s4], $0x2000  }
0x14f: {  	[sflag:s4] =	ssyncset.done $0x0  }
0x150: {  	[sflag:s4] =	ssyncadd.s32 $0xFFFFE000  }
0x151: {  	_ =	swait.ge [sflag:s4], $0x2000  }
0x152: {  	[sflag:s4] =	ssyncset.done $0x0  }
0x153: {  	[sflag:s4] =	ssyncadd.s32 $0xFFFFE000  }
0x154: {  	_ =	swait.ge [sflag:s4], $0x2000  }
0x155: {  	[sflag:s4] =	ssyncset.done $0x0  }
0x156: {  	[sflag:s4] =	ssyncadd.s32 $0xFFFFE000  }
0x157: {  	_ =	swait.ge [sflag:s4], $0x2000  }
0x158: {  	s18 =	sld [smem:$0x7FF];
	_ =	sdelay $0x2  }
0x159: {  	p3 =	sne.s32 @!p2 s18, $0x1  }
0x15a: {  	[sflag:s4] =	ssyncset.done $0x0;
	p2 =	por !p3, p2  }
0x15b: {  	[sflag:s4] =	ssyncadd.s32 $0xFFFFE000;
	s18 =	sor.u32 @!p2 $0x100000, s12  }
0x15c: {  	s19 =	simm.s32 @!p2 $0x0;
	[smem:s18], [sflag:$0x0] =	smem.add.s32 @!p2 $0xBE  }
0x15d: {  	s18 =	simm.s32 @!p2 $0x1;
	_ =	swait.done @!p2 [sflag:s19]  }
0x15e: {  	[smem:$0x7FF] =	sst @!p2 s18  }
0x15f: {  	s17 =	sshrl.u32 s17, $0x3;
	_ =	sint @!p2 $0x2  }
0x160: {  	s17 =	sadd.s32 s3, s17;
	_ =	swait.notdone @!p2 [sflag:s19]  }
0x161: {  	[tilespmem:s5], [sflag:$0x1] =	stream.linear.gather [hbm4b:s17+s2], $0xE000, $0x38;
	[tilespmem:$0x1E080] =	vst v63  }
0x162: {  	_ =	swait.ge [sflag:s9], $0x10000  }
0x163: {  	[sflag:s9] =	ssyncset.done $0x0  }
0x164: {  	[sflag:s9] =	ssyncadd.s32 $0xFFFF0000  }
0x165: {  	_ =	swait.ge [sflag:s9], $0x10000  }
0x166: {  	[sflag:s9] =	ssyncset.done $0x0  }
0x167: {  	[sflag:s9] =	ssyncadd.s32 $0xFFFF0000  }
0x168: {  	_ =	swait.ge [sflag:s9], $0x10000  }
0x169: {  	[sflag:s9] =	ssyncset.done $0x0  }
0x16a: {  	[sflag:s9] =	ssyncadd.s32 $0xFFFF0000  }
0x16b: {  	_ =	swait.ge [sflag:s9], $0x10000  }
0x16c: {  	[sflag:s9] =	ssyncset.done $0x0  }
0x16d: {  	[sflag:s9] =	ssyncadd.s32 $0xFFFF0000  }
0x16e: {  	_ =	swait.ge [sflag:s9], $0x10000  }
0x16f: {  	[sflag:s9] =	ssyncset.done $0x0  }
0x170: {  	[sflag:s9] =	ssyncadd.s32 $0xFFFF0000  }
0x171: {  	_ =	swait.ge [sflag:s9], $0x10000  }
0x172: {  	[sflag:s9] =	ssyncset.done $0x0  }
0x173: {  	[sflag:s9] =	ssyncadd.s32 $0xFFFF0000  }
0x174: {  	_ =	swait.ge [sflag:s9], $0x10000  }
0x175: {  	[sflag:s9] =	ssyncset.done $0x0  }
0x176: {  	[sflag:s9] =	ssyncadd.s32 $0xFFFF0000  }
0x177: {  	_ =	swait.ge [sflag:s9], $0x10000  }
0x178: {  	[sflag:s9] =	ssyncset.done $0x0  }
0x179: {  	[sflag:s9] =	ssyncadd.s32 $0xFFFF0000  }
0x17a: {  	_ =	swait.ge [sflag:s7], $0xE000  }
0x17b: {  	[sflag:s7] =	ssyncset.done $0x0  }
0x17c: {  	s23 =	rddreg [dreg:$0x15];
	[sflag:s7] =	ssyncadd.s32 $0xFFFF2000  }
0x17d: {  	[hbm4b:s23+s2] =	stream.linear.scatter [tilespmem:s5], [sflag:$0x3], $0xE000, $0x38;
	[tilespmem:$0x1E080] =	vst v63  }
0x17e: {  	s24 =	rddreg [dreg:$0x16]  }
0x17f: {  	[hbm4b:s24+s2] =	stream.linear.scatter [tilespmem:s5], [sflag:$0x3], $0xE000, $0x38;
	[tilespmem:$0x1E080] =	vst v63  }
0x180: {  	s25 =	rddreg [dreg:$0x17]  }
0x181: {  	[hbm4b:s25+s2] =	stream.linear.scatter [tilespmem:s5], [sflag:$0x3], $0xE000, $0x38;
	[tilespmem:$0x1E080] =	vst v63  }
0x182: {  	s26 =	rddreg [dreg:$0x18]  }
0x183: {  	[hbm4b:s26+s2] =	stream.linear.scatter [tilespmem:s5], [sflag:$0x3], $0xE000, $0x38;
	[tilespmem:$0x1E080] =	vst v63  }
0x184: {  	s28 =	rddreg [dreg:$0x19]  }
0x185: {  	[hbm4b:s28+s2] =	stream.linear.scatter [tilespmem:s5], [sflag:$0x3], $0xE000, $0x38;
	[tilespmem:$0x1E080] =	vst v63  }
0x186: {  	s29 =	rddreg [dreg:$0x1a]  }
0x187: {  	[hbm4b:s29+s2] =	stream.linear.scatter [tilespmem:s5], [sflag:$0x3], $0xE000, $0x38;
	[tilespmem:$0x1E080] =	vst v63  }
0x188: {  	s30 =	rddreg [dreg:$0x1b]  }
0x189: {  	[hbm4b:s30+s2] =	stream.linear.scatter [tilespmem:s5], [sflag:$0x3], $0xE000, $0x38;
	[tilespmem:$0x1E080] =	vst v63  }
0x18a: {  	s31 =	rddreg [dreg:$0x1c]  }
0x18b: {  	[hbm4b:s31+s2] =	stream.linear.scatter [tilespmem:s5], [sflag:$0x3], $0xE000, $0x38;
	[tilespmem:$0x1E080] =	vst v63  }
0x18c: {  	_ =	swait.ge [sflag:s4], $0xE000  }
0x18d: {  	[sflag:s4] =	ssyncset.done $0x0  }
0x18e: {  	[sflag:s4] =	ssyncadd.s32 $0xFFFF2000  }
0x18f: {  	_ =	swait.ge [sflag:s4], $0xE000  }
0x190: {  	[sflag:s4] =	ssyncset.done $0x0  }
0x191: {  	[sflag:s4] =	ssyncadd.s32 $0xFFFF2000  }
0x192: {  	_ =	swait.ge [sflag:s4], $0xE000  }
0x193: {  	[sflag:s4] =	ssyncset.done $0x0  }
0x194: {  	[sflag:s4] =	ssyncadd.s32 $0xFFFF2000  }
0x195: {  	_ =	swait.ge [sflag:s4], $0xE000  }
0x196: {  	[sflag:s4] =	ssyncset.done $0x0  }
0x197: {  	[sflag:s4] =	ssyncadd.s32 $0xFFFF2000  }
0x198: {  	_ =	swait.ge [sflag:s4], $0xE000  }
0x199: {  	[sflag:s4] =	ssyncset.done $0x0  }
0x19a: {  	[sflag:s4] =	ssyncadd.s32 $0xFFFF2000  }
0x19b: {  	s16 =	sadd.s32 $0xFFFFFFFF, s16;
	_ =	swait.ge [sflag:s4], $0xE000  }
0x19c: {  	p1 =	sne.s32 s16, $0x0;
	[sflag:s4] =	ssyncset.done $0x0  }
.Ltmp2:
0x19d: {  	[sflag:s4] =	ssyncadd.s32 $0xFFFF2000;
	(pc) =	sbr.rel @p1 .LBB2_2-.Ltmp2, $4  }
0x19e: {  	_ =	swait.ge [sflag:s4], $0xE000  }
0x19f: {  	[sflag:s4] =	ssyncset.done $0x0  }
0x1a0: {  	[sflag:s4] =	ssyncadd.s32 $0xFFFF2000  }
0x1a1: {  	_ =	swait.ge [sflag:s4], $0xE000  }
.LBB2_3:
0x1a2: {  	[sflag:s4] =	ssyncset.done @p0 $0x0  }
0x1a3: {  	s16 =	rddreg [dreg:$0x4];
	[sflag:s4] =	ssyncadd.s32 @p0 $0xFFFF2000  }
0x1a4: {  	[tilespmem:s2], [sflag:$0x5] =	stream.linear.gather [hbm4b:s16+s2], $0x8, $0x38;
	[tilespmem:$0x1E080] =	vst v63  }
0x1a5: {  	_ =	swait.ge [sflag:s15], $0x8  }
0x1a6: {  	[sflag:s15] =	ssyncset.done $0x0  }
0x1a7: {  	[sflag:s15] =	ssyncadd.s32 $0xFFFFFFF8  }
0x1a8: {  	v0 =	vld [tilespmem:$0x0];
	_ =	sdelay $0x4  }
0x1a9: {  	(v2sf) =	vpush v0, $0x0  }
0x1aa: {  	(v2sf) =	vpush v0, $0x1;
	_ =	sdelay $0x2  }
0x1ab: {  	(v2sf) =	vpush v0, $0x2;
	_ =	sdelay $0x2  }
0x1ac: {  	(v2sf) =	vpush v0, $0x3;
	_ =	sdelay $0x2  }
0x1ad: {  	(v2sf) =	vpush v0, $0x4;
	_ =	sdelay $0x2  }
0x1ae: {  	(v2sf) =	vpush v0, $0x5;
	_ =	sdelay $0x1  }
0x1af: {  	s15 =	spop (v2sf)  }
0x1b0: {  	(v2sf) =	vpush v0, $0x6;
	s16 =	spop (v2sf)  }
0x1b1: {  	p0 =	sgt.f32 s16, s15;
	_ =	sdelay $0x1  }
0x1b2: {  	(v2sf) =	vpush v0, $0x7;
	s17 =	spop (v2sf);
	s15 =	smov.u32 @p0 s16  }
0x1b3: {  	p1 =	sgt.f32 s17, s15;
	_ =	sdelay $0x1  }
0x1b4: {  	s16 =	spop (v2sf);
	s15 =	smov.u32 @p1 s17  }
0x1b5: {  	p2 =	sgt.f32 s16, s15;
	_ =	sdelay $0x1  }
0x1b6: {  	s17 =	spop (v2sf);
	s15 =	smov.u32 @p2 s16  }
0x1b7: {  	p3 =	sgt.f32 s17, s15;
	_ =	sdelay $0x1  }
0x1b8: {  	s18 =	spop (v2sf);
	s15 =	smov.u32 @p3 s17  }
0x1b9: {  	p4 =	sgt.f32 s18, s15  }
0x1ba: {  	s16 =	rddreg [dreg:$0x1d]  }
0x1bb: {  	s16 =	simm.s32 @!p0 $0x0;
	s17 =	spop (v2sf);
	s15 =	smov.u32 @p4 s18  }
0x1bc: {  	s16 =	simm.s32 @p1 $0x800000;
	p0 =	sgt.f32 s17, s15  }
0x1bd: {  	s16 =	simm.s32 @p2 $0xC00000  }
0x1be: {  	s16 =	simm.s32 @p3 $0x1000000;
	s19 =	spop (v2sf);
	s15 =	smov.u32 @p0 s17  }
0x1bf: {  	s22 =	sld [smem:$0x7FF];
	s16 =	simm.s32 @p4 $0x1400000;
	p1 =	sgt.f32 s19, s15  }
0x1c0: {  	s16 =	simm.s32 @p0 $0x1800000  }
0x1c1: {  	s16 =	simm.s32 @p1 $0x1C00000  }
0x1c2: {  	p0 =	seq.s32 s22, $0x1;
	s15 =	sand.u32 $0x7, s16  }
0x1c3: {  	p1 =	sne.s32 @!p0 s15, $0x0  }
0x1c4: {  	p0 =	por !p1, p0  }
0x1c5: {  	s17 =	sor.u32 @!p0 $0x100000, s12  }
0x1c6: {  	s18 =	simm.s32 @!p0 $0x0;
	[smem:s17], [sflag:$0x0] =	smem.add.s32 @!p0 $0x8A  }
0x1c7: {  	s17 =	simm.s32 @!p0 $0x1;
	_ =	swait.done @!p0 [sflag:s18]  }
0x1c8: {  	[smem:$0x7FF] =	sst @!p0 s17  }
0x1c9: {  	s11 =	sadd.s32 s11, s16;
	_ =	sint @!p0 $0x2  }
0x1ca: {  	s10 =	sadd.s32 s10, s11;
	_ =	swait.notdone @!p0 [sflag:s18]  }
0x1cb: {  	s10 =	sshrl.u32 s10, $0x3;
	s16 =	sld [smem:$0x7FF]  }
0x1cc: {  	s10 =	sadd.s32 s3, s10;
	p0 =	seq.s32 s15, $0x0  }
0x1cd: {  	[tilespmem:s5], [sflag:$0x1] =	stream.linear.gather [hbm4b:s10+s2], $0x2000, $0x38;
	[tilespmem:$0x1E080] =	vst v63  }
0x1ce: {  	p1 =	sne.s32 @!p0 s16, $0x1  }
0x1cf: {  	p1 =	por !p1, p0  }
0x1d0: {  	s10 =	sor.u32 @!p1 $0x100000, s12  }
0x1d1: {  	s15 =	simm.s32 @!p1 $0x0;
	[smem:s10], [sflag:$0x0] =	smem.add.s32 @!p1 $0x8B  }
0x1d2: {  	s10 =	simm.s32 @!p1 $0x1;
	_ =	swait.done @!p1 [sflag:s15]  }
0x1d3: {  	s8 =	sadd.s32 s8, s11;
	[smem:$0x7FF] =	sst @!p1 s10  }
0x1d4: {  	s8 =	sshrl.u32 s8, $0x3;
	_ =	sint @!p1 $0x2  }
0x1d5: {  	s8 =	sadd.s32 s3, s8;
	_ =	swait.notdone @!p1 [sflag:s15]  }
0x1d6: {  	[tilespmem:s13], [sflag:$0x2] =	stream.linear.gather [hbm4b:s8+s2], $0x10000, $0x38;
	[tilespmem:$0x1E080] =	vst v63  }
0x1d7: {  	_ =	swait.ge [sflag:s7], $0x2000  }
0x1d8: {  	[sflag:s7] =	ssyncset.done $0x0  }
0x1d9: {  	s23 =	rddreg [dreg:$0x5];
	[sflag:s7] =	ssyncadd.s32 $0xFFFFE000  }
0x1da: {  	[hbm4b:s23+s2] =	stream.linear.scatter [tilespmem:s5], [sflag:$0x3], $0x2000, $0x38;
	[tilespmem:$0x1E080] =	vst v63  }
0x1db: {  	s24 =	rddreg [dreg:$0x6]  }
0x1dc: {  	[hbm4b:s24+s2] =	stream.linear.scatter [tilespmem:s5], [sflag:$0x3], $0x2000, $0x38;
	[tilespmem:$0x1E080] =	vst v63  }
0x1dd: {  	s25 =	rddreg [dreg:$0x7]  }
0x1de: {  	[hbm4b:s25+s2] =	stream.linear.scatter [tilespmem:s5], [sflag:$0x3], $0x2000, $0x38;
	[tilespmem:$0x1E080] =	vst v63  }
0x1df: {  	s26 =	rddreg [dreg:$0x8]  }
0x1e0: {  	[hbm4b:s26+s2] =	stream.linear.scatter [tilespmem:s5], [sflag:$0x3], $0x2000, $0x38;
	[tilespmem:$0x1E080] =	vst v63  }
0x1e1: {  	s28 =	rddreg [dreg:$0x9]  }
0x1e2: {  	[hbm4b:s28+s2] =	stream.linear.scatter [tilespmem:s5], [sflag:$0x3], $0x2000, $0x38;
	[tilespmem:$0x1E080] =	vst v63  }
0x1e3: {  	s29 =	rddreg [dreg:$0xa]  }
0x1e4: {  	[hbm4b:s29+s2] =	stream.linear.scatter [tilespmem:s5], [sflag:$0x3], $0x2000, $0x38;
	[tilespmem:$0x1E080] =	vst v63  }
0x1e5: {  	s30 =	rddreg [dreg:$0xb]  }
0x1e6: {  	[hbm4b:s30+s2] =	stream.linear.scatter [tilespmem:s5], [sflag:$0x3], $0x2000, $0x38;
	[tilespmem:$0x1E080] =	vst v63  }
0x1e7: {  	s31 =	rddreg [dreg:$0xc]  }
0x1e8: {  	[hbm4b:s31+s2] =	stream.linear.scatter [tilespmem:s5], [sflag:$0x3], $0x2000, $0x38;
	[tilespmem:$0x1E080] =	vst v63  }
0x1e9: {  	_ =	swait.ge [sflag:s14], $0x10000  }
0x1ea: {  	[sflag:s14] =	ssyncset.done $0x0  }
0x1eb: {  	s10 =	rddreg [dreg:$0xd];
	[sflag:s14] =	ssyncadd.s32 $0xFFFF0000  }
0x1ec: {  	[hbm4b:s10+s2] =	stream.linear.scatter [tilespmem:s13], [sflag:$0x4], $0x10000, $0x38;
	[tilespmem:$0x1E080] =	vst v63  }
0x1ed: {  	s15 =	rddreg [dreg:$0xe]  }
0x1ee: {  	[hbm4b:s15+s2] =	stream.linear.scatter [tilespmem:s13], [sflag:$0x4], $0x10000, $0x38;
	[tilespmem:$0x1E080] =	vst v63  }
0x1ef: {  	s16 =	rddreg [dreg:$0xf]  }
0x1f0: {  	[hbm4b:s16+s2] =	stream.linear.scatter [tilespmem:s13], [sflag:$0x4], $0x10000, $0x38;
	[tilespmem:$0x1E080] =	vst v63  }
0x1f1: {  	s17 =	rddreg [dreg:$0x10]  }
0x1f2: {  	[hbm4b:s17+s2] =	stream.linear.scatter [tilespmem:s13], [sflag:$0x4], $0x10000, $0x38;
	[tilespmem:$0x1E080] =	vst v63  }
0x1f3: {  	s18 =	rddreg [dreg:$0x11]  }
0x1f4: {  	[hbm4b:s18+s2] =	stream.linear.scatter [tilespmem:s13], [sflag:$0x4], $0x10000, $0x38;
	[tilespmem:$0x1E080] =	vst v63  }
0x1f5: {  	s19 =	rddreg [dreg:$0x12]  }
0x1f6: {  	[hbm4b:s19+s2] =	stream.linear.scatter [tilespmem:s13], [sflag:$0x4], $0x10000, $0x38;
	[tilespmem:$0x1E080] =	vst v63  }
0x1f7: {  	s20 =	rddreg [dreg:$0x13]  }
0x1f8: {  	[hbm4b:s20+s2] =	stream.linear.scatter [tilespmem:s13], [sflag:$0x4], $0x10000, $0x38;
	[tilespmem:$0x1E080] =	vst v63  }
0x1f9: {  	s21 =	rddreg [dreg:$0x14]  }
0x1fa: {  	[hbm4b:s21+s2] =	stream.linear.scatter [tilespmem:s13], [sflag:$0x4], $0x10000, $0x38;
	[tilespmem:$0x1E080] =	vst v63  }
0x1fb: {  	_ =	swait.ge [sflag:s4], $0x2000  }
0x1fc: {  	[sflag:s4] =	ssyncset.done $0x0  }
0x1fd: {  	[sflag:s4] =	ssyncadd.s32 $0xFFFFE000  }
0x1fe: {  	_ =	swait.ge [sflag:s4], $0x2000  }
0x1ff: {  	[sflag:s4] =	ssyncset.done $0x0  }
0x200: {  	[sflag:s4] =	ssyncadd.s32 $0xFFFFE000  }
0x201: {  	_ =	swait.ge [sflag:s4], $0x2000  }
0x202: {  	[sflag:s4] =	ssyncset.done $0x0  }
0x203: {  	[sflag:s4] =	ssyncadd.s32 $0xFFFFE000  }
0x204: {  	_ =	swait.ge [sflag:s4], $0x2000  }
0x205: {  	[sflag:s4] =	ssyncset.done $0x0  }
0x206: {  	[sflag:s4] =	ssyncadd.s32 $0xFFFFE000  }
0x207: {  	_ =	swait.ge [sflag:s4], $0x2000  }
0x208: {  	[sflag:s4] =	ssyncset.done $0x0  }
0x209: {  	[sflag:s4] =	ssyncadd.s32 $0xFFFFE000  }
0x20a: {  	_ =	swait.ge [sflag:s4], $0x2000  }
0x20b: {  	[sflag:s4] =	ssyncset.done $0x0  }
0x20c: {  	[sflag:s4] =	ssyncadd.s32 $0xFFFFE000  }
0x20d: {  	_ =	swait.ge [sflag:s4], $0x2000  }
0x20e: {  	[sflag:s4] =	ssyncset.done $0x0  }
0x20f: {  	[sflag:s4] =	ssyncadd.s32 $0xFFFFE000  }
0x210: {  	_ =	swait.ge [sflag:s4], $0x2000  }
0x211: {  	s8 =	sld [smem:$0x7FF];
	_ =	sdelay $0x2  }
0x212: {  	p1 =	sne.s32 @!p0 s8, $0x1  }
0x213: {  	[sflag:s4] =	ssyncset.done $0x0;
	p0 =	por !p1, p0  }
0x214: {  	[sflag:s4] =	ssyncadd.s32 $0xFFFFE000;
	s8 =	sor.u32 @!p0 $0x100000, s12  }
0x215: {  	s10 =	simm.s32 @!p0 $0x0;
	[smem:s8], [sflag:$0x0] =	smem.add.s32 @!p0 $0xBE  }
0x216: {  	s8 =	simm.s32 @!p0 $0x1;
	_ =	swait.done @!p0 [sflag:s10]  }
0x217: {  	s6 =	sadd.s32 s6, s11;
	[smem:$0x7FF] =	sst @!p0 s8  }
0x218: {  	s6 =	sshrl.u32 s6, $0x3;
	_ =	sint @!p0 $0x2  }
0x219: {  	s22 =	sadd.s32 s3, s6;
	_ =	swait.notdone @!p0 [sflag:s10]  }
0x21a: {  	[tilespmem:s5], [sflag:$0x1] =	stream.linear.gather [hbm4b:s22+s2], $0xE000, $0x38;
	[tilespmem:$0x1E080] =	vst v63  }
0x21b: {  	_ =	swait.ge [sflag:s9], $0x10000  }
0x21c: {  	[sflag:s9] =	ssyncset.done $0x0  }
0x21d: {  	[sflag:s9] =	ssyncadd.s32 $0xFFFF0000  }
0x21e: {  	_ =	swait.ge [sflag:s9], $0x10000  }
0x21f: {  	[sflag:s9] =	ssyncset.done $0x0  }
0x220: {  	[sflag:s9] =	ssyncadd.s32 $0xFFFF0000  }
0x221: {  	_ =	swait.ge [sflag:s9], $0x10000  }
0x222: {  	[sflag:s9] =	ssyncset.done $0x0  }
0x223: {  	[sflag:s9] =	ssyncadd.s32 $0xFFFF0000  }
0x224: {  	_ =	swait.ge [sflag:s9], $0x10000  }
0x225: {  	[sflag:s9] =	ssyncset.done $0x0  }
0x226: {  	[sflag:s9] =	ssyncadd.s32 $0xFFFF0000  }
0x227: {  	_ =	swait.ge [sflag:s9], $0x10000  }
0x228: {  	[sflag:s9] =	ssyncset.done $0x0  }
0x229: {  	[sflag:s9] =	ssyncadd.s32 $0xFFFF0000  }
0x22a: {  	_ =	swait.ge [sflag:s9], $0x10000  }
0x22b: {  	[sflag:s9] =	ssyncset.done $0x0  }
0x22c: {  	[sflag:s9] =	ssyncadd.s32 $0xFFFF0000  }
0x22d: {  	_ =	swait.ge [sflag:s9], $0x10000  }
0x22e: {  	[sflag:s9] =	ssyncset.done $0x0  }
0x22f: {  	[sflag:s9] =	ssyncadd.s32 $0xFFFF0000  }
0x230: {  	_ =	swait.ge [sflag:s9], $0x10000  }
0x231: {  	[sflag:s9] =	ssyncset.done $0x0  }
0x232: {  	[sflag:s9] =	ssyncadd.s32 $0xFFFF0000  }
0x233: {  	_ =	swait.ge [sflag:s7], $0xE000  }
0x234: {  	[sflag:s7] =	ssyncset.done $0x0  }
0x235: {  	s23 =	rddreg [dreg:$0x15];
	[sflag:s7] =	ssyncadd.s32 $0xFFFF2000  }
0x236: {  	[hbm4b:s23+s2] =	stream.linear.scatter [tilespmem:s5], [sflag:$0x3], $0xE000, $0x38;
	[tilespmem:$0x1E080] =	vst v63  }
0x237: {  	s24 =	rddreg [dreg:$0x16]  }
0x238: {  	[hbm4b:s24+s2] =	stream.linear.scatter [tilespmem:s5], [sflag:$0x3], $0xE000, $0x38;
	[tilespmem:$0x1E080] =	vst v63  }
0x239: {  	s25 =	rddreg [dreg:$0x17]  }
0x23a: {  	[hbm4b:s25+s2] =	stream.linear.scatter [tilespmem:s5], [sflag:$0x3], $0xE000, $0x38;
	[tilespmem:$0x1E080] =	vst v63  }
0x23b: {  	s26 =	rddreg [dreg:$0x18]  }
0x23c: {  	[hbm4b:s26+s2] =	stream.linear.scatter [tilespmem:s5], [sflag:$0x3], $0xE000, $0x38;
	[tilespmem:$0x1E080] =	vst v63  }
0x23d: {  	s28 =	rddreg [dreg:$0x19]  }
0x23e: {  	[hbm4b:s28+s2] =	stream.linear.scatter [tilespmem:s5], [sflag:$0x3], $0xE000, $0x38;
	[tilespmem:$0x1E080] =	vst v63  }
0x23f: {  	s29 =	rddreg [dreg:$0x1a]  }
0x240: {  	[hbm4b:s29+s2] =	stream.linear.scatter [tilespmem:s5], [sflag:$0x3], $0xE000, $0x38;
	[tilespmem:$0x1E080] =	vst v63  }
0x241: {  	s30 =	rddreg [dreg:$0x1b]  }
0x242: {  	[hbm4b:s30+s2] =	stream.linear.scatter [tilespmem:s5], [sflag:$0x3], $0xE000, $0x38;
	[tilespmem:$0x1E080] =	vst v63  }
0x243: {  	s31 =	rddreg [dreg:$0x1c]  }
0x244: {  	[hbm4b:s31+s2] =	stream.linear.scatter [tilespmem:s5], [sflag:$0x3], $0xE000, $0x38;
	[tilespmem:$0x1E080] =	vst v63  }
0x245: {  	_ =	swait.ge [sflag:s4], $0xE000  }
0x246: {  	[sflag:s4] =	ssyncset.done $0x0  }
0x247: {  	[sflag:s4] =	ssyncadd.s32 $0xFFFF2000  }
0x248: {  	_ =	swait.ge [sflag:s4], $0xE000  }
0x249: {  	[sflag:s4] =	ssyncset.done $0x0  }
0x24a: {  	[sflag:s4] =	ssyncadd.s32 $0xFFFF2000  }
0x24b: {  	_ =	swait.ge [sflag:s4], $0xE000  }
0x24c: {  	[sflag:s4] =	ssyncset.done $0x0  }
0x24d: {  	[sflag:s4] =	ssyncadd.s32 $0xFFFF2000  }
0x24e: {  	_ =	swait.ge [sflag:s4], $0xE000  }
0x24f: {  	[sflag:s4] =	ssyncset.done $0x0  }
0x250: {  	[sflag:s4] =	ssyncadd.s32 $0xFFFF2000  }
0x251: {  	_ =	swait.ge [sflag:s4], $0xE000  }
0x252: {  	[sflag:s4] =	ssyncset.done $0x0  }
0x253: {  	[sflag:s4] =	ssyncadd.s32 $0xFFFF2000  }
0x254: {  	_ =	swait.ge [sflag:s4], $0xE000  }
0x255: {  	[sflag:s4] =	ssyncset.done $0x0  }
0x256: {  	[sflag:s4] =	ssyncadd.s32 $0xFFFF2000  }
0x257: {  	_ =	swait.ge [sflag:s4], $0xE000  }
0x258: {  	[sflag:s4] =	ssyncset.done $0x0  }
0x259: {  	[sflag:s4] =	ssyncadd.s32 $0xFFFF2000  }
0x25a: {  	_ =	swait.ge [sflag:s4], $0xE000  }
0x25b: {  	[sflag:s4] =	ssyncset.done $0x0  }
0x25c: {  	[sflag:s4] =	ssyncadd.s32 $0xFFFF2000  }
0x25d: {  	_ =	sfence.sel $0x180000  }
0x25e: {  	[bflag:$0x0] =	sbarrier.arrive $0xFFFF  }
0x25f: {  	p0 =	sne.s32 s0, $0x0;
	_ =	strace $0x90000047  }
0x260: {  	s0 =	sadd.s32 @!p0 $0x100000, s1;
	[bflag:$0x2] =	sbarrier.arrive $0xFFFF  }
0x261: {  	[sflag:s0] =	ssyncadd.tile.s32 @!p0 $0x1;
	_ =	shalt  }
.Lfunc_end2:
_tile_overlayer_lowered:
.L_overlay_start_2:
0x262: {  	(tag) =	ssettag $0x2  }
0x263: {  	s0 =	rddreg [dreg:$0x0];
	s2 =	stileid.u32  }
0x264: {  	s1 =	rddreg [dreg:$0x1];
	p0 =	sne.s32 s2, $0x0  }
0x265: {  	s3 =	rddreg [dreg:$0x2];
	[bflag:$0x3] =	sbarrier.arrive $0xFFFF;
	s2 =	simm.s32 @!p0 $0x1C05  }
0x266: {  	[timem:s3], [sflag:s2] =	dma.local @!p0 [hbm:s0], s1  }
0x267: {  	s0 =	simm.s32 @!p0 $0x5  }
0x268: {  	_ =	swait.ge @!p0 [sflag:s0], s1  }
0x269: {  	s1 =	ssub.s32 @!p0 $0x0, s1;
	[sflag:s0] =	ssyncset.done @!p0 $0x0  }
0x26a: {  	[sflag:s0] =	ssyncadd.s32 @!p0 s1  }
0x26b: {  	[bflag:$0x3] =	sbarrier.arrive $0xFFFF  }
0x26c: {  	_ =	shalt  }

</sc_bundles>
